<compile_context>
chip_gen: v7x
topology: tpu7x:2x2x1
jax: 0.10.2.dev20260603
libtpu: 0.0.44.dev20260713+nightly
codegen_flags: <defaults>
</compile_context>

<pallas_src>
import jax
import jax.numpy as jnp
from jax import lax
from jax.experimental import pallas as pl
from jax.experimental.pallas import tpu as pltpu
from jax.experimental.pallas import tpu_sc as plsc

_B = 16384
_D = 32

_info = plsc.get_sparse_core_info()
_NC, _NS = _info.num_cores, _info.num_subcores
_NW = _NC * _NS
_BPW = _B // _NW
_CH = 128
_NCH = _BPW // _CH


def _mf_bpr_body(user_h, item_i_h, item_j_h, user_t, item_t,
                 out_i_h, out_j_h,
                 idx_u, idx_i, idx_j, ru, ri, rj, oi, oj, sem):
    wid = lax.axis_index("s") * _NC + lax.axis_index("c")
    base = wid * _BPW

    pltpu.sync_copy(user_h.at[pl.ds(base, _BPW)], idx_u)
    pltpu.sync_copy(item_i_h.at[pl.ds(base, _BPW)], idx_i)
    pltpu.sync_copy(item_j_h.at[pl.ds(base, _BPW)], idx_j)

    copies = []
    for k in range(_NCH):
        s = pl.ds(k * _CH, _CH)
        copies.append(pltpu.async_copy(user_t.at[idx_u.at[s]], ru.at[s], sem))
        copies.append(pltpu.async_copy(item_t.at[idx_i.at[s]], ri.at[s], sem))
        copies.append(pltpu.async_copy(item_t.at[idx_j.at[s]], rj.at[s], sem))
    for c in copies:
        c.wait()

    lane = lax.iota(jnp.int32, 16)

    def group(g, carry):
        rows = g * 16 + lane
        acc_i = jnp.zeros((16,), jnp.float32)
        acc_j = jnp.zeros((16,), jnp.float32)
        for d0 in range(_D):
            col = (lane + d0) & (_D - 1)
            u = plsc.load_gather(ru, [rows, col])
            ai = plsc.load_gather(ri, [rows, col])
            bj = plsc.load_gather(rj, [rows, col])
            acc_i = acc_i + u * ai
            acc_j = acc_j + u * bj
        oi[pl.ds(g * 16, 16)] = acc_i
        oj[pl.ds(g * 16, 16)] = acc_j
        return carry

    lax.fori_loop(0, _BPW // 16, group, None)

    pltpu.sync_copy(oi, out_i_h.at[pl.ds(base, _BPW)])
    pltpu.sync_copy(oj, out_j_h.at[pl.ds(base, _BPW)])


_mf_bpr = pl.kernel(
    _mf_bpr_body,
    out_type=(
        jax.ShapeDtypeStruct((_B,), jnp.float32),
        jax.ShapeDtypeStruct((_B,), jnp.float32),
    ),
    mesh=plsc.VectorSubcoreMesh(core_axis_name="c", subcore_axis_name="s"),
    compiler_params=pltpu.CompilerParams(
        needs_layout_passes=False, use_tc_tiling_on_sc=False),
    scratch_types=[
        pltpu.VMEM((_BPW,), jnp.int32),
        pltpu.VMEM((_BPW,), jnp.int32),
        pltpu.VMEM((_BPW,), jnp.int32),
        pltpu.VMEM((_BPW, _D), jnp.float32),
        pltpu.VMEM((_BPW, _D), jnp.float32),
        pltpu.VMEM((_BPW, _D), jnp.float32),
        pltpu.VMEM((_BPW,), jnp.float32),
        pltpu.VMEM((_BPW,), jnp.float32),
        pltpu.SemaphoreType.DMA,
    ],
)


def kernel(user, item_i, item_j, user_table, item_table):
    return _mf_bpr(user, item_i, item_j, user_table, item_table)

# --- scband reference (transcript-rebuilt; emitter-appended) ---
"""Pipeline reference for scband-mf-bpr-64793876627668 (READ-ONLY COPY).

The authoritative reference and input builder live on the scoring server;
editing this copy changes nothing except your own understanding.
"""

import jax, jax.numpy as jnp
import numpy as np

B = 16384
U = 1000000
I = 1000000
D = 32

def setup_inputs(seed: int = 0) -> dict:
    key = jax.random.key(seed)
    k1, k2, k3, k4, k5 = jax.random.split(key, 5)
    user = jax.random.randint(k1, (B,), 0, U, dtype=jnp.int32)
    item_i = jax.random.randint(k2, (B,), 0, I, dtype=jnp.int32)
    item_j = jax.random.randint(k3, (B,), 0, I, dtype=jnp.int32)
    user_table = jax.random.normal(k4, (U, D), dtype=jnp.float32) * 0.01
    item_table = jax.random.normal(k5, (I, D), dtype=jnp.float32) * 0.01
    return {"user": user, "item_i": item_i, "item_j": item_j,
            "user_table": user_table, "item_table": item_table}

def reference(user, item_i, item_j, user_table, item_table):
    u = jnp.take(user_table, user, axis=0)
    vi = jnp.take(item_table, item_i, axis=0)
    vj = jnp.take(item_table, item_j, axis=0)
    pred_i = jnp.sum(u * vi, axis=-1)
    pred_j = jnp.sum(u * vj, axis=-1)
    return (pred_i, pred_j)

if __name__ == "__main__":
    import jax
    _d = setup_inputs()
    print(jax.jit(kernel)(*tuple(_d.values())))

</pallas_src>

<mosaic_0001>
#map = affine_map<(d0, d1) -> (0)>
#map1 = affine_map<(d0, d1) -> (0, 0)>
module attributes {stable_mosaic.version = 14 : i64} {
  func.func @_mf_bpr_body(%arg0: i32, %arg1: i32, %arg2: memref<16384xi32, #tpu.memory_space<hbm>>, %arg3: memref<16384xi32, #tpu.memory_space<hbm>>, %arg4: memref<16384xi32, #tpu.memory_space<hbm>>, %arg5: memref<1000000x32xf32, #tpu.memory_space<hbm>>, %arg6: memref<1000000x32xf32, #tpu.memory_space<hbm>>, %arg7: memref<16384xf32, #tpu.memory_space<hbm>>, %arg8: memref<16384xf32, #tpu.memory_space<hbm>>, %arg9: memref<512xi32, #tpu.memory_space<vmem>>, %arg10: memref<512xi32, #tpu.memory_space<vmem>>, %arg11: memref<512xi32, #tpu.memory_space<vmem>>, %arg12: memref<512x32xf32, #tpu.memory_space<vmem>>, %arg13: memref<512x32xf32, #tpu.memory_space<vmem>>, %arg14: memref<512x32xf32, #tpu.memory_space<vmem>>, %arg15: memref<512xf32, #tpu.memory_space<vmem>>, %arg16: memref<512xf32, #tpu.memory_space<vmem>>, %arg17: memref<!tpu.dma_semaphore, #tpu.memory_space<semaphore_mem>>) attributes {dimension_semantics = [#tpu.dimension_semantics<core_parallel>, #tpu.dimension_semantics<subcore_parallel>], iteration_bounds = array<i64: 2, 16>, scalar_prefetch = 0 : i64, scratch_operands = 9 : i64, tpu.core_type = #tpu.core_type<sc_vector_subcore>, window_params = [{transform_indices = #map}, {transform_indices = #map}, {transform_indices = #map}, {transform_indices = #map1}, {transform_indices = #map1}, {transform_indices = #map}, {transform_indices = #map}]} {
    %mul3A = arith.constant 2 : i32
    %mul3A_0 = arith.muli %arg1, %mul3A : i32
    %add3A = arith.addi %mul3A_0, %arg0 : i32
    %mul3A_1 = arith.constant 512 : i32
    %mul3A_2 = arith.muli %add3A, %mul3A_1 : i32
    "tpu.region"() ({
      %run_scoped3A = tpu.sem_alloc : memref<!tpu.dma_semaphore, #tpu.memory_space<semaphore_mem>>
      %dma_start3A_197 = tpu.memref_slice %arg2[%mul3A_2] : memref<16384xi32, #tpu.memory_space<hbm>> -> memref<512xi32, #tpu.memory_space<hbm>>
      %dma_start3A_198 = tpu.memref_slice %arg2[%mul3A_2] : memref<16384xi32, #tpu.memory_space<hbm>> -> memref<512xi32, #tpu.memory_space<hbm>>
      tpu.enqueue_dma source(%dma_start3A_198 : memref<512xi32, #tpu.memory_space<hbm>>) target(%arg9 : memref<512xi32, #tpu.memory_space<vmem>>) target_semaphore(%run_scoped3A : memref<!tpu.dma_semaphore, #tpu.memory_space<semaphore_mem>>)
      %dma_wait3A_199 = tpu.memref_slice %arg2[%mul3A_2] : memref<16384xi32, #tpu.memory_space<hbm>> -> memref<512xi32, #tpu.memory_space<hbm>>
      %dma_wait3A_200 = tpu.memref_slice %arg2[%mul3A_2] : memref<16384xi32, #tpu.memory_space<hbm>> -> memref<512xi32, #tpu.memory_space<hbm>>
      tpu.wait_dma2 semaphore(%run_scoped3A : memref<!tpu.dma_semaphore, #tpu.memory_space<semaphore_mem>>) src(%dma_wait3A_200 : memref<512xi32, #tpu.memory_space<hbm>>) dst(%arg9 : memref<512xi32, #tpu.memory_space<vmem>>)
      tpu.yield
    }) : () -> ()
    "tpu.region"() ({
      %run_scoped3A = tpu.sem_alloc : memref<!tpu.dma_semaphore, #tpu.memory_space<semaphore_mem>>
      %dma_start3A_197 = tpu.memref_slice %arg3[%mul3A_2] : memref<16384xi32, #tpu.memory_space<hbm>> -> memref<512xi32, #tpu.memory_space<hbm>>
      %dma_start3A_198 = tpu.memref_slice %arg3[%mul3A_2] : memref<16384xi32, #tpu.memory_space<hbm>> -> memref<512xi32, #tpu.memory_space<hbm>>
      tpu.enqueue_dma source(%dma_start3A_198 : memref<512xi32, #tpu.memory_space<hbm>>) target(%arg10 : memref<512xi32, #tpu.memory_space<vmem>>) target_semaphore(%run_scoped3A : memref<!tpu.dma_semaphore, #tpu.memory_space<semaphore_mem>>)
      %dma_wait3A_199 = tpu.memref_slice %arg3[%mul3A_2] : memref<16384xi32, #tpu.memory_space<hbm>> -> memref<512xi32, #tpu.memory_space<hbm>>
      %dma_wait3A_200 = tpu.memref_slice %arg3[%mul3A_2] : memref<16384xi32, #tpu.memory_space<hbm>> -> memref<512xi32, #tpu.memory_space<hbm>>
      tpu.wait_dma2 semaphore(%run_scoped3A : memref<!tpu.dma_semaphore, #tpu.memory_space<semaphore_mem>>) src(%dma_wait3A_200 : memref<512xi32, #tpu.memory_space<hbm>>) dst(%arg10 : memref<512xi32, #tpu.memory_space<vmem>>)
      tpu.yield
    }) : () -> ()
    "tpu.region"() ({
      %run_scoped3A = tpu.sem_alloc : memref<!tpu.dma_semaphore, #tpu.memory_space<semaphore_mem>>
      %dma_start3A_197 = tpu.memref_slice %arg4[%mul3A_2] : memref<16384xi32, #tpu.memory_space<hbm>> -> memref<512xi32, #tpu.memory_space<hbm>>
      %dma_start3A_198 = tpu.memref_slice %arg4[%mul3A_2] : memref<16384xi32, #tpu.memory_space<hbm>> -> memref<512xi32, #tpu.memory_space<hbm>>
      tpu.enqueue_dma source(%dma_start3A_198 : memref<512xi32, #tpu.memory_space<hbm>>) target(%arg11 : memref<512xi32, #tpu.memory_space<vmem>>) target_semaphore(%run_scoped3A : memref<!tpu.dma_semaphore, #tpu.memory_space<semaphore_mem>>)
      %dma_wait3A_199 = tpu.memref_slice %arg4[%mul3A_2] : memref<16384xi32, #tpu.memory_space<hbm>> -> memref<512xi32, #tpu.memory_space<hbm>>
      %dma_wait3A_200 = tpu.memref_slice %arg4[%mul3A_2] : memref<16384xi32, #tpu.memory_space<hbm>> -> memref<512xi32, #tpu.memory_space<hbm>>
      tpu.wait_dma2 semaphore(%run_scoped3A : memref<!tpu.dma_semaphore, #tpu.memory_space<semaphore_mem>>) src(%dma_wait3A_200 : memref<512xi32, #tpu.memory_space<hbm>>) dst(%arg11 : memref<512xi32, #tpu.memory_space<vmem>>)
      tpu.yield
    }) : () -> ()
    %dma_start3A = arith.constant 0 : i32
    %dma_start3A_3 = arith.constant 0 : i32
    %dma_start3A_4 = tpu.memref_slice %arg12[%dma_start3A, %dma_start3A_3] : memref<512x32xf32, #tpu.memory_space<vmem>> -> memref<128x32xf32, #tpu.memory_space<vmem>>
    %dma_start3A_5 = arith.constant 0 : i32
    %dma_start3A_6 = tpu.memref_slice %arg9[%dma_start3A_5] : memref<512xi32, #tpu.memory_space<vmem>> -> memref<128xi32, #tpu.memory_space<vmem>>
    %dma_start3A_7 = arith.constant 0 : i32
    %dma_start3A_8 = arith.constant 0 : i32
    %dma_start3A_9 = tpu.memref_slice %arg5[%dma_start3A_7, %dma_start3A_8] : memref<1000000x32xf32, #tpu.memory_space<hbm>> -> memref<1000000x32xf32, #tpu.memory_space<hbm>>
    tpu.enqueue_indirect_dma source(%dma_start3A_9 : memref<1000000x32xf32, #tpu.memory_space<hbm>>) target(%dma_start3A_4 : memref<128x32xf32, #tpu.memory_space<vmem>>) offsets(%dma_start3A_6 : memref<128xi32, #tpu.memory_space<vmem>>) semaphore(%arg17 : memref<!tpu.dma_semaphore, #tpu.memory_space<semaphore_mem>>)
    %dma_start3A_10 = arith.constant 0 : i32
    %dma_start3A_11 = arith.constant 0 : i32
    %dma_start3A_12 = tpu.memref_slice %arg13[%dma_start3A_10, %dma_start3A_11] : memref<512x32xf32, #tpu.memory_space<vmem>> -> memref<128x32xf32, #tpu.memory_space<vmem>>
    %dma_start3A_13 = arith.constant 0 : i32
    %dma_start3A_14 = tpu.memref_slice %arg10[%dma_start3A_13] : memref<512xi32, #tpu.memory_space<vmem>> -> memref<128xi32, #tpu.memory_space<vmem>>
    %dma_start3A_15 = arith.constant 0 : i32
    %dma_start3A_16 = arith.constant 0 : i32
    %dma_start3A_17 = tpu.memref_slice %arg6[%dma_start3A_15, %dma_start3A_16] : memref<1000000x32xf32, #tpu.memory_space<hbm>> -> memref<1000000x32xf32, #tpu.memory_space<hbm>>
    tpu.enqueue_indirect_dma source(%dma_start3A_17 : memref<1000000x32xf32, #tpu.memory_space<hbm>>) target(%dma_start3A_12 : memref<128x32xf32, #tpu.memory_space<vmem>>) offsets(%dma_start3A_14 : memref<128xi32, #tpu.memory_space<vmem>>) semaphore(%arg17 : memref<!tpu.dma_semaphore, #tpu.memory_space<semaphore_mem>>)
    %dma_start3A_18 = arith.constant 0 : i32
    %dma_start3A_19 = arith.constant 0 : i32
    %dma_start3A_20 = tpu.memref_slice %arg14[%dma_start3A_18, %dma_start3A_19] : memref<512x32xf32, #tpu.memory_space<vmem>> -> memref<128x32xf32, #tpu.memory_space<vmem>>
    %dma_start3A_21 = arith.constant 0 : i32
    %dma_start3A_22 = tpu.memref_slice %arg11[%dma_start3A_21] : memref<512xi32, #tpu.memory_space<vmem>> -> memref<128xi32, #tpu.memory_space<vmem>>
    %dma_start3A_23 = arith.constant 0 : i32
    %dma_start3A_24 = arith.constant 0 : i32
    %dma_start3A_25 = tpu.memref_slice %arg6[%dma_start3A_23, %dma_start3A_24] : memref<1000000x32xf32, #tpu.memory_space<hbm>> -> memref<1000000x32xf32, #tpu.memory_space<hbm>>
    tpu.enqueue_indirect_dma source(%dma_start3A_25 : memref<1000000x32xf32, #tpu.memory_space<hbm>>) target(%dma_start3A_20 : memref<128x32xf32, #tpu.memory_space<vmem>>) offsets(%dma_start3A_22 : memref<128xi32, #tpu.memory_space<vmem>>) semaphore(%arg17 : memref<!tpu.dma_semaphore, #tpu.memory_space<semaphore_mem>>)
    %dma_start3A_26 = arith.constant 128 : i32
    %dma_start3A_27 = arith.constant 0 : i32
    %dma_start3A_28 = tpu.memref_slice %arg12[%dma_start3A_26, %dma_start3A_27] : memref<512x32xf32, #tpu.memory_space<vmem>> -> memref<128x32xf32, #tpu.memory_space<vmem>>
    %dma_start3A_29 = arith.constant 128 : i32
    %dma_start3A_30 = tpu.memref_slice %arg9[%dma_start3A_29] : memref<512xi32, #tpu.memory_space<vmem>> -> memref<128xi32, #tpu.memory_space<vmem>>
    %dma_start3A_31 = arith.constant 0 : i32
    %dma_start3A_32 = arith.constant 0 : i32
    %dma_start3A_33 = tpu.memref_slice %arg5[%dma_start3A_31, %dma_start3A_32] : memref<1000000x32xf32, #tpu.memory_space<hbm>> -> memref<1000000x32xf32, #tpu.memory_space<hbm>>
    tpu.enqueue_indirect_dma source(%dma_start3A_33 : memref<1000000x32xf32, #tpu.memory_space<hbm>>) target(%dma_start3A_28 : memref<128x32xf32, #tpu.memory_space<vmem>>) offsets(%dma_start3A_30 : memref<128xi32, #tpu.memory_space<vmem>>) semaphore(%arg17 : memref<!tpu.dma_semaphore, #tpu.memory_space<semaphore_mem>>)
    %dma_start3A_34 = arith.constant 128 : i32
    %dma_start3A_35 = arith.constant 0 : i32
    %dma_start3A_36 = tpu.memref_slice %arg13[%dma_start3A_34, %dma_start3A_35] : memref<512x32xf32, #tpu.memory_space<vmem>> -> memref<128x32xf32, #tpu.memory_space<vmem>>
    %dma_start3A_37 = arith.constant 128 : i32
    %dma_start3A_38 = tpu.memref_slice %arg10[%dma_start3A_37] : memref<512xi32, #tpu.memory_space<vmem>> -> memref<128xi32, #tpu.memory_space<vmem>>
    %dma_start3A_39 = arith.constant 0 : i32
    %dma_start3A_40 = arith.constant 0 : i32
    %dma_start3A_41 = tpu.memref_slice %arg6[%dma_start3A_39, %dma_start3A_40] : memref<1000000x32xf32, #tpu.memory_space<hbm>> -> memref<1000000x32xf32, #tpu.memory_space<hbm>>
    tpu.enqueue_indirect_dma source(%dma_start3A_41 : memref<1000000x32xf32, #tpu.memory_space<hbm>>) target(%dma_start3A_36 : memref<128x32xf32, #tpu.memory_space<vmem>>) offsets(%dma_start3A_38 : memref<128xi32, #tpu.memory_space<vmem>>) semaphore(%arg17 : memref<!tpu.dma_semaphore, #tpu.memory_space<semaphore_mem>>)
    %dma_start3A_42 = arith.constant 128 : i32
    %dma_start3A_43 = arith.constant 0 : i32
    %dma_start3A_44 = tpu.memref_slice %arg14[%dma_start3A_42, %dma_start3A_43] : memref<512x32xf32, #tpu.memory_space<vmem>> -> memref<128x32xf32, #tpu.memory_space<vmem>>
    %dma_start3A_45 = arith.constant 128 : i32
    %dma_start3A_46 = tpu.memref_slice %arg11[%dma_start3A_45] : memref<512xi32, #tpu.memory_space<vmem>> -> memref<128xi32, #tpu.memory_space<vmem>>
    %dma_start3A_47 = arith.constant 0 : i32
    %dma_start3A_48 = arith.constant 0 : i32
    %dma_start3A_49 = tpu.memref_slice %arg6[%dma_start3A_47, %dma_start3A_48] : memref<1000000x32xf32, #tpu.memory_space<hbm>> -> memref<1000000x32xf32, #tpu.memory_space<hbm>>
    tpu.enqueue_indirect_dma source(%dma_start3A_49 : memref<1000000x32xf32, #tpu.memory_space<hbm>>) target(%dma_start3A_44 : memref<128x32xf32, #tpu.memory_space<vmem>>) offsets(%dma_start3A_46 : memref<128xi32, #tpu.memory_space<vmem>>) semaphore(%arg17 : memref<!tpu.dma_semaphore, #tpu.memory_space<semaphore_mem>>)
    %dma_start3A_50 = arith.constant 256 : i32
    %dma_start3A_51 = arith.constant 0 : i32
    %dma_start3A_52 = tpu.memref_slice %arg12[%dma_start3A_50, %dma_start3A_51] : memref<512x32xf32, #tpu.memory_space<vmem>> -> memref<128x32xf32, #tpu.memory_space<vmem>>
    %dma_start3A_53 = arith.constant 256 : i32
    %dma_start3A_54 = tpu.memref_slice %arg9[%dma_start3A_53] : memref<512xi32, #tpu.memory_space<vmem>> -> memref<128xi32, #tpu.memory_space<vmem>>
    %dma_start3A_55 = arith.constant 0 : i32
    %dma_start3A_56 = arith.constant 0 : i32
    %dma_start3A_57 = tpu.memref_slice %arg5[%dma_start3A_55, %dma_start3A_56] : memref<1000000x32xf32, #tpu.memory_space<hbm>> -> memref<1000000x32xf32, #tpu.memory_space<hbm>>
    tpu.enqueue_indirect_dma source(%dma_start3A_57 : memref<1000000x32xf32, #tpu.memory_space<hbm>>) target(%dma_start3A_52 : memref<128x32xf32, #tpu.memory_space<vmem>>) offsets(%dma_start3A_54 : memref<128xi32, #tpu.memory_space<vmem>>) semaphore(%arg17 : memref<!tpu.dma_semaphore, #tpu.memory_space<semaphore_mem>>)
    %dma_start3A_58 = arith.constant 256 : i32
    %dma_start3A_59 = arith.constant 0 : i32
    %dma_start3A_60 = tpu.memref_slice %arg13[%dma_start3A_58, %dma_start3A_59] : memref<512x32xf32, #tpu.memory_space<vmem>> -> memref<128x32xf32, #tpu.memory_space<vmem>>
    %dma_start3A_61 = arith.constant 256 : i32
    %dma_start3A_62 = tpu.memref_slice %arg10[%dma_start3A_61] : memref<512xi32, #tpu.memory_space<vmem>> -> memref<128xi32, #tpu.memory_space<vmem>>
    %dma_start3A_63 = arith.constant 0 : i32
    %dma_start3A_64 = arith.constant 0 : i32
    %dma_start3A_65 = tpu.memref_slice %arg6[%dma_start3A_63, %dma_start3A_64] : memref<1000000x32xf32, #tpu.memory_space<hbm>> -> memref<1000000x32xf32, #tpu.memory_space<hbm>>
    tpu.enqueue_indirect_dma source(%dma_start3A_65 : memref<1000000x32xf32, #tpu.memory_space<hbm>>) target(%dma_start3A_60 : memref<128x32xf32, #tpu.memory_space<vmem>>) offsets(%dma_start3A_62 : memref<128xi32, #tpu.memory_space<vmem>>) semaphore(%arg17 : memref<!tpu.dma_semaphore, #tpu.memory_space<semaphore_mem>>)
    %dma_start3A_66 = arith.constant 256 : i32
    %dma_start3A_67 = arith.constant 0 : i32
    %dma_start3A_68 = tpu.memref_slice %arg14[%dma_start3A_66, %dma_start3A_67] : memref<512x32xf32, #tpu.memory_space<vmem>> -> memref<128x32xf32, #tpu.memory_space<vmem>>
    %dma_start3A_69 = arith.constant 256 : i32
    %dma_start3A_70 = tpu.memref_slice %arg11[%dma_start3A_69] : memref<512xi32, #tpu.memory_space<vmem>> -> memref<128xi32, #tpu.memory_space<vmem>>
    %dma_start3A_71 = arith.constant 0 : i32
    %dma_start3A_72 = arith.constant 0 : i32
    %dma_start3A_73 = tpu.memref_slice %arg6[%dma_start3A_71, %dma_start3A_72] : memref<1000000x32xf32, #tpu.memory_space<hbm>> -> memref<1000000x32xf32, #tpu.memory_space<hbm>>
    tpu.enqueue_indirect_dma source(%dma_start3A_73 : memref<1000000x32xf32, #tpu.memory_space<hbm>>) target(%dma_start3A_68 : memref<128x32xf32, #tpu.memory_space<vmem>>) offsets(%dma_start3A_70 : memref<128xi32, #tpu.memory_space<vmem>>) semaphore(%arg17 : memref<!tpu.dma_semaphore, #tpu.memory_space<semaphore_mem>>)
    %dma_start3A_74 = arith.constant 384 : i32
    %dma_start3A_75 = arith.constant 0 : i32
    %dma_start3A_76 = tpu.memref_slice %arg12[%dma_start3A_74, %dma_start3A_75] : memref<512x32xf32, #tpu.memory_space<vmem>> -> memref<128x32xf32, #tpu.memory_space<vmem>>
    %dma_start3A_77 = arith.constant 384 : i32
    %dma_start3A_78 = tpu.memref_slice %arg9[%dma_start3A_77] : memref<512xi32, #tpu.memory_space<vmem>> -> memref<128xi32, #tpu.memory_space<vmem>>
    %dma_start3A_79 = arith.constant 0 : i32
    %dma_start3A_80 = arith.constant 0 : i32
    %dma_start3A_81 = tpu.memref_slice %arg5[%dma_start3A_79, %dma_start3A_80] : memref<1000000x32xf32, #tpu.memory_space<hbm>> -> memref<1000000x32xf32, #tpu.memory_space<hbm>>
    tpu.enqueue_indirect_dma source(%dma_start3A_81 : memref<1000000x32xf32, #tpu.memory_space<hbm>>) target(%dma_start3A_76 : memref<128x32xf32, #tpu.memory_space<vmem>>) offsets(%dma_start3A_78 : memref<128xi32, #tpu.memory_space<vmem>>) semaphore(%arg17 : memref<!tpu.dma_semaphore, #tpu.memory_space<semaphore_mem>>)
    %dma_start3A_82 = arith.constant 384 : i32
    %dma_start3A_83 = arith.constant 0 : i32
    %dma_start3A_84 = tpu.memref_slice %arg13[%dma_start3A_82, %dma_start3A_83] : memref<512x32xf32, #tpu.memory_space<vmem>> -> memref<128x32xf32, #tpu.memory_space<vmem>>
    %dma_start3A_85 = arith.constant 384 : i32
    %dma_start3A_86 = tpu.memref_slice %arg10[%dma_start3A_85] : memref<512xi32, #tpu.memory_space<vmem>> -> memref<128xi32, #tpu.memory_space<vmem>>
    %dma_start3A_87 = arith.constant 0 : i32
    %dma_start3A_88 = arith.constant 0 : i32
    %dma_start3A_89 = tpu.memref_slice %arg6[%dma_start3A_87, %dma_start3A_88] : memref<1000000x32xf32, #tpu.memory_space<hbm>> -> memref<1000000x32xf32, #tpu.memory_space<hbm>>
    tpu.enqueue_indirect_dma source(%dma_start3A_89 : memref<1000000x32xf32, #tpu.memory_space<hbm>>) target(%dma_start3A_84 : memref<128x32xf32, #tpu.memory_space<vmem>>) offsets(%dma_start3A_86 : memref<128xi32, #tpu.memory_space<vmem>>) semaphore(%arg17 : memref<!tpu.dma_semaphore, #tpu.memory_space<semaphore_mem>>)
    %dma_start3A_90 = arith.constant 384 : i32
    %dma_start3A_91 = arith.constant 0 : i32
    %dma_start3A_92 = tpu.memref_slice %arg14[%dma_start3A_90, %dma_start3A_91] : memref<512x32xf32, #tpu.memory_space<vmem>> -> memref<128x32xf32, #tpu.memory_space<vmem>>
    %dma_start3A_93 = arith.constant 384 : i32
    %dma_start3A_94 = tpu.memref_slice %arg11[%dma_start3A_93] : memref<512xi32, #tpu.memory_space<vmem>> -> memref<128xi32, #tpu.memory_space<vmem>>
    %dma_start3A_95 = arith.constant 0 : i32
    %dma_start3A_96 = arith.constant 0 : i32
    %dma_start3A_97 = tpu.memref_slice %arg6[%dma_start3A_95, %dma_start3A_96] : memref<1000000x32xf32, #tpu.memory_space<hbm>> -> memref<1000000x32xf32, #tpu.memory_space<hbm>>
    tpu.enqueue_indirect_dma source(%dma_start3A_97 : memref<1000000x32xf32, #tpu.memory_space<hbm>>) target(%dma_start3A_92 : memref<128x32xf32, #tpu.memory_space<vmem>>) offsets(%dma_start3A_94 : memref<128xi32, #tpu.memory_space<vmem>>) semaphore(%arg17 : memref<!tpu.dma_semaphore, #tpu.memory_space<semaphore_mem>>)
    %dma_wait3A = arith.constant 0 : i32
    %dma_wait3A_98 = arith.constant 0 : i32
    %dma_wait3A_99 = tpu.memref_slice %arg12[%dma_wait3A, %dma_wait3A_98] : memref<512x32xf32, #tpu.memory_space<vmem>> -> memref<128x32xf32, #tpu.memory_space<vmem>>
    %dma_wait3A_100 = arith.constant 0 : i32
    %dma_wait3A_101 = tpu.memref_slice %arg9[%dma_wait3A_100] : memref<512xi32, #tpu.memory_space<vmem>> -> memref<128xi32, #tpu.memory_space<vmem>>
    %dma_wait3A_102 = arith.constant 0 : i32
    %dma_wait3A_103 = arith.constant 0 : i32
    %dma_wait3A_104 = tpu.memref_slice %arg5[%dma_wait3A_102, %dma_wait3A_103] : memref<1000000x32xf32, #tpu.memory_space<hbm>> -> memref<1000000x32xf32, #tpu.memory_space<hbm>>
    tpu.wait_indirect_dma semaphore(%arg17 : memref<!tpu.dma_semaphore, #tpu.memory_space<semaphore_mem>>) src(%dma_wait3A_104 : memref<1000000x32xf32, #tpu.memory_space<hbm>>) dst(%dma_wait3A_99 : memref<128x32xf32, #tpu.memory_space<vmem>>)
    %dma_wait3A_105 = arith.constant 0 : i32
    %dma_wait3A_106 = arith.constant 0 : i32
    %dma_wait3A_107 = tpu.memref_slice %arg13[%dma_wait3A_105, %dma_wait3A_106] : memref<512x32xf32, #tpu.memory_space<vmem>> -> memref<128x32xf32, #tpu.memory_space<vmem>>
    %dma_wait3A_108 = arith.constant 0 : i32
    %dma_wait3A_109 = tpu.memref_slice %arg10[%dma_wait3A_108] : memref<512xi32, #tpu.memory_space<vmem>> -> memref<128xi32, #tpu.memory_space<vmem>>
    %dma_wait3A_110 = arith.constant 0 : i32
    %dma_wait3A_111 = arith.constant 0 : i32
    %dma_wait3A_112 = tpu.memref_slice %arg6[%dma_wait3A_110, %dma_wait3A_111] : memref<1000000x32xf32, #tpu.memory_space<hbm>> -> memref<1000000x32xf32, #tpu.memory_space<hbm>>
    tpu.wait_indirect_dma semaphore(%arg17 : memref<!tpu.dma_semaphore, #tpu.memory_space<semaphore_mem>>) src(%dma_wait3A_112 : memref<1000000x32xf32, #tpu.memory_space<hbm>>) dst(%dma_wait3A_107 : memref<128x32xf32, #tpu.memory_space<vmem>>)
    %dma_wait3A_113 = arith.constant 0 : i32
    %dma_wait3A_114 = arith.constant 0 : i32
    %dma_wait3A_115 = tpu.memref_slice %arg14[%dma_wait3A_113, %dma_wait3A_114] : memref<512x32xf32, #tpu.memory_space<vmem>> -> memref<128x32xf32, #tpu.memory_space<vmem>>
    %dma_wait3A_116 = arith.constant 0 : i32
    %dma_wait3A_117 = tpu.memref_slice %arg11[%dma_wait3A_116] : memref<512xi32, #tpu.memory_space<vmem>> -> memref<128xi32, #tpu.memory_space<vmem>>
    %dma_wait3A_118 = arith.constant 0 : i32
    %dma_wait3A_119 = arith.constant 0 : i32
    %dma_wait3A_120 = tpu.memref_slice %arg6[%dma_wait3A_118, %dma_wait3A_119] : memref<1000000x32xf32, #tpu.memory_space<hbm>> -> memref<1000000x32xf32, #tpu.memory_space<hbm>>
    tpu.wait_indirect_dma semaphore(%arg17 : memref<!tpu.dma_semaphore, #tpu.memory_space<semaphore_mem>>) src(%dma_wait3A_120 : memref<1000000x32xf32, #tpu.memory_space<hbm>>) dst(%dma_wait3A_115 : memref<128x32xf32, #tpu.memory_space<vmem>>)
    %dma_wait3A_121 = arith.constant 128 : i32
    %dma_wait3A_122 = arith.constant 0 : i32
    %dma_wait3A_123 = tpu.memref_slice %arg12[%dma_wait3A_121, %dma_wait3A_122] : memref<512x32xf32, #tpu.memory_space<vmem>> -> memref<128x32xf32, #tpu.memory_space<vmem>>
    %dma_wait3A_124 = arith.constant 128 : i32
    %dma_wait3A_125 = tpu.memref_slice %arg9[%dma_wait3A_124] : memref<512xi32, #tpu.memory_space<vmem>> -> memref<128xi32, #tpu.memory_space<vmem>>
    %dma_wait3A_126 = arith.constant 0 : i32
    %dma_wait3A_127 = arith.constant 0 : i32
    %dma_wait3A_128 = tpu.memref_slice %arg5[%dma_wait3A_126, %dma_wait3A_127] : memref<1000000x32xf32, #tpu.memory_space<hbm>> -> memref<1000000x32xf32, #tpu.memory_space<hbm>>
    tpu.wait_indirect_dma semaphore(%arg17 : memref<!tpu.dma_semaphore, #tpu.memory_space<semaphore_mem>>) src(%dma_wait3A_128 : memref<1000000x32xf32, #tpu.memory_space<hbm>>) dst(%dma_wait3A_123 : memref<128x32xf32, #tpu.memory_space<vmem>>)
    %dma_wait3A_129 = arith.constant 128 : i32
    %dma_wait3A_130 = arith.constant 0 : i32
    %dma_wait3A_131 = tpu.memref_slice %arg13[%dma_wait3A_129, %dma_wait3A_130] : memref<512x32xf32, #tpu.memory_space<vmem>> -> memref<128x32xf32, #tpu.memory_space<vmem>>
    %dma_wait3A_132 = arith.constant 128 : i32
    %dma_wait3A_133 = tpu.memref_slice %arg10[%dma_wait3A_132] : memref<512xi32, #tpu.memory_space<vmem>> -> memref<128xi32, #tpu.memory_space<vmem>>
    %dma_wait3A_134 = arith.constant 0 : i32
    %dma_wait3A_135 = arith.constant 0 : i32
    %dma_wait3A_136 = tpu.memref_slice %arg6[%dma_wait3A_134, %dma_wait3A_135] : memref<1000000x32xf32, #tpu.memory_space<hbm>> -> memref<1000000x32xf32, #tpu.memory_space<hbm>>
    tpu.wait_indirect_dma semaphore(%arg17 : memref<!tpu.dma_semaphore, #tpu.memory_space<semaphore_mem>>) src(%dma_wait3A_136 : memref<1000000x32xf32, #tpu.memory_space<hbm>>) dst(%dma_wait3A_131 : memref<128x32xf32, #tpu.memory_space<vmem>>)
    %dma_wait3A_137 = arith.constant 128 : i32
    %dma_wait3A_138 = arith.constant 0 : i32
    %dma_wait3A_139 = tpu.memref_slice %arg14[%dma_wait3A_137, %dma_wait3A_138] : memref<512x32xf32, #tpu.memory_space<vmem>> -> memref<128x32xf32, #tpu.memory_space<vmem>>
    %dma_wait3A_140 = arith.constant 128 : i32
    %dma_wait3A_141 = tpu.memref_slice %arg11[%dma_wait3A_140] : memref<512xi32, #tpu.memory_space<vmem>> -> memref<128xi32, #tpu.memory_space<vmem>>
    %dma_wait3A_142 = arith.constant 0 : i32
    %dma_wait3A_143 = arith.constant 0 : i32
    %dma_wait3A_144 = tpu.memref_slice %arg6[%dma_wait3A_142, %dma_wait3A_143] : memref<1000000x32xf32, #tpu.memory_space<hbm>> -> memref<1000000x32xf32, #tpu.memory_space<hbm>>
    tpu.wait_indirect_dma semaphore(%arg17 : memref<!tpu.dma_semaphore, #tpu.memory_space<semaphore_mem>>) src(%dma_wait3A_144 : memref<1000000x32xf32, #tpu.memory_space<hbm>>) dst(%dma_wait3A_139 : memref<128x32xf32, #tpu.memory_space<vmem>>)
    %dma_wait3A_145 = arith.constant 256 : i32
    %dma_wait3A_146 = arith.constant 0 : i32
    %dma_wait3A_147 = tpu.memref_slice %arg12[%dma_wait3A_145, %dma_wait3A_146] : memref<512x32xf32, #tpu.memory_space<vmem>> -> memref<128x32xf32, #tpu.memory_space<vmem>>
    %dma_wait3A_148 = arith.constant 256 : i32
    %dma_wait3A_149 = tpu.memref_slice %arg9[%dma_wait3A_148] : memref<512xi32, #tpu.memory_space<vmem>> -> memref<128xi32, #tpu.memory_space<vmem>>
    %dma_wait3A_150 = arith.constant 0 : i32
    %dma_wait3A_151 = arith.constant 0 : i32
    %dma_wait3A_152 = tpu.memref_slice %arg5[%dma_wait3A_150, %dma_wait3A_151] : memref<1000000x32xf32, #tpu.memory_space<hbm>> -> memref<1000000x32xf32, #tpu.memory_space<hbm>>
    tpu.wait_indirect_dma semaphore(%arg17 : memref<!tpu.dma_semaphore, #tpu.memory_space<semaphore_mem>>) src(%dma_wait3A_152 : memref<1000000x32xf32, #tpu.memory_space<hbm>>) dst(%dma_wait3A_147 : memref<128x32xf32, #tpu.memory_space<vmem>>)
    %dma_wait3A_153 = arith.constant 256 : i32
    %dma_wait3A_154 = arith.constant 0 : i32
    %dma_wait3A_155 = tpu.memref_slice %arg13[%dma_wait3A_153, %dma_wait3A_154] : memref<512x32xf32, #tpu.memory_space<vmem>> -> memref<128x32xf32, #tpu.memory_space<vmem>>
    %dma_wait3A_156 = arith.constant 256 : i32
    %dma_wait3A_157 = tpu.memref_slice %arg10[%dma_wait3A_156] : memref<512xi32, #tpu.memory_space<vmem>> -> memref<128xi32, #tpu.memory_space<vmem>>
    %dma_wait3A_158 = arith.constant 0 : i32
    %dma_wait3A_159 = arith.constant 0 : i32
    %dma_wait3A_160 = tpu.memref_slice %arg6[%dma_wait3A_158, %dma_wait3A_159] : memref<1000000x32xf32, #tpu.memory_space<hbm>> -> memref<1000000x32xf32, #tpu.memory_space<hbm>>
    tpu.wait_indirect_dma semaphore(%arg17 : memref<!tpu.dma_semaphore, #tpu.memory_space<semaphore_mem>>) src(%dma_wait3A_160 : memref<1000000x32xf32, #tpu.memory_space<hbm>>) dst(%dma_wait3A_155 : memref<128x32xf32, #tpu.memory_space<vmem>>)
    %dma_wait3A_161 = arith.constant 256 : i32
    %dma_wait3A_162 = arith.constant 0 : i32
    %dma_wait3A_163 = tpu.memref_slice %arg14[%dma_wait3A_161, %dma_wait3A_162] : memref<512x32xf32, #tpu.memory_space<vmem>> -> memref<128x32xf32, #tpu.memory_space<vmem>>
    %dma_wait3A_164 = arith.constant 256 : i32
    %dma_wait3A_165 = tpu.memref_slice %arg11[%dma_wait3A_164] : memref<512xi32, #tpu.memory_space<vmem>> -> memref<128xi32, #tpu.memory_space<vmem>>
    %dma_wait3A_166 = arith.constant 0 : i32
    %dma_wait3A_167 = arith.constant 0 : i32
    %dma_wait3A_168 = tpu.memref_slice %arg6[%dma_wait3A_166, %dma_wait3A_167] : memref<1000000x32xf32, #tpu.memory_space<hbm>> -> memref<1000000x32xf32, #tpu.memory_space<hbm>>
    tpu.wait_indirect_dma semaphore(%arg17 : memref<!tpu.dma_semaphore, #tpu.memory_space<semaphore_mem>>) src(%dma_wait3A_168 : memref<1000000x32xf32, #tpu.memory_space<hbm>>) dst(%dma_wait3A_163 : memref<128x32xf32, #tpu.memory_space<vmem>>)
    %dma_wait3A_169 = arith.constant 384 : i32
    %dma_wait3A_170 = arith.constant 0 : i32
    %dma_wait3A_171 = tpu.memref_slice %arg12[%dma_wait3A_169, %dma_wait3A_170] : memref<512x32xf32, #tpu.memory_space<vmem>> -> memref<128x32xf32, #tpu.memory_space<vmem>>
    %dma_wait3A_172 = arith.constant 384 : i32
    %dma_wait3A_173 = tpu.memref_slice %arg9[%dma_wait3A_172] : memref<512xi32, #tpu.memory_space<vmem>> -> memref<128xi32, #tpu.memory_space<vmem>>
    %dma_wait3A_174 = arith.constant 0 : i32
    %dma_wait3A_175 = arith.constant 0 : i32
    %dma_wait3A_176 = tpu.memref_slice %arg5[%dma_wait3A_174, %dma_wait3A_175] : memref<1000000x32xf32, #tpu.memory_space<hbm>> -> memref<1000000x32xf32, #tpu.memory_space<hbm>>
    tpu.wait_indirect_dma semaphore(%arg17 : memref<!tpu.dma_semaphore, #tpu.memory_space<semaphore_mem>>) src(%dma_wait3A_176 : memref<1000000x32xf32, #tpu.memory_space<hbm>>) dst(%dma_wait3A_171 : memref<128x32xf32, #tpu.memory_space<vmem>>)
    %dma_wait3A_177 = arith.constant 384 : i32
    %dma_wait3A_178 = arith.constant 0 : i32
    %dma_wait3A_179 = tpu.memref_slice %arg13[%dma_wait3A_177, %dma_wait3A_178] : memref<512x32xf32, #tpu.memory_space<vmem>> -> memref<128x32xf32, #tpu.memory_space<vmem>>
    %dma_wait3A_180 = arith.constant 384 : i32
    %dma_wait3A_181 = tpu.memref_slice %arg10[%dma_wait3A_180] : memref<512xi32, #tpu.memory_space<vmem>> -> memref<128xi32, #tpu.memory_space<vmem>>
    %dma_wait3A_182 = arith.constant 0 : i32
    %dma_wait3A_183 = arith.constant 0 : i32
    %dma_wait3A_184 = tpu.memref_slice %arg6[%dma_wait3A_182, %dma_wait3A_183] : memref<1000000x32xf32, #tpu.memory_space<hbm>> -> memref<1000000x32xf32, #tpu.memory_space<hbm>>
    tpu.wait_indirect_dma semaphore(%arg17 : memref<!tpu.dma_semaphore, #tpu.memory_space<semaphore_mem>>) src(%dma_wait3A_184 : memref<1000000x32xf32, #tpu.memory_space<hbm>>) dst(%dma_wait3A_179 : memref<128x32xf32, #tpu.memory_space<vmem>>)
    %dma_wait3A_185 = arith.constant 384 : i32
    %dma_wait3A_186 = arith.constant 0 : i32
    %dma_wait3A_187 = tpu.memref_slice %arg14[%dma_wait3A_185, %dma_wait3A_186] : memref<512x32xf32, #tpu.memory_space<vmem>> -> memref<128x32xf32, #tpu.memory_space<vmem>>
    %dma_wait3A_188 = arith.constant 384 : i32
    %dma_wait3A_189 = tpu.memref_slice %arg11[%dma_wait3A_188] : memref<512xi32, #tpu.memory_space<vmem>> -> memref<128xi32, #tpu.memory_space<vmem>>
    %dma_wait3A_190 = arith.constant 0 : i32
    %dma_wait3A_191 = arith.constant 0 : i32
    %dma_wait3A_192 = tpu.memref_slice %arg6[%dma_wait3A_190, %dma_wait3A_191] : memref<1000000x32xf32, #tpu.memory_space<hbm>> -> memref<1000000x32xf32, #tpu.memory_space<hbm>>
    tpu.wait_indirect_dma semaphore(%arg17 : memref<!tpu.dma_semaphore, #tpu.memory_space<semaphore_mem>>) src(%dma_wait3A_192 : memref<1000000x32xf32, #tpu.memory_space<hbm>>) dst(%dma_wait3A_187 : memref<128x32xf32, #tpu.memory_space<vmem>>)
    %iota3A = tpu.iota {dimensions = array<i32: 0>} : vector<16xi32>
    %scan3A = arith.constant 0 : i32
    %scan3A_193 = arith.constant 32 : i32
    %scan3A_194 = arith.addi %scan3A, %scan3A_193 : i32
    %scan3A_195 = arith.constant 1 : i32
    scf.for %scan3A_197 = %scan3A to %scan3A_194 step %scan3A_195  : i32 {
      %mul3A_198 = arith.constant 16 : i32
      %mul3A_199 = arith.muli %scan3A_197, %mul3A_198 : i32
      %add3A_200 = vector.broadcast %mul3A_199 : i32 to vector<16xi32>
      %add3A_201 = arith.addi %add3A_200, %iota3A : vector<16xi32>
      %broadcast_in_dim3A = arith.constant 0.000000e+00 : f32
      %broadcast_in_dim3A_202 = vector.broadcast %broadcast_in_dim3A : f32 to vector<16xf32>
      %broadcast_in_dim3A_203 = arith.constant 0.000000e+00 : f32
      %broadcast_in_dim3A_204 = vector.broadcast %broadcast_in_dim3A_203 : f32 to vector<16xf32>
      %add3A_205 = arith.constant 0 : i32
      %add3A_206 = vector.broadcast %add3A_205 : i32 to vector<16xi32>
      %add3A_207 = arith.addi %iota3A, %add3A_206 : vector<16xi32>
      %and3A = arith.constant 31 : i32
      %and3A_208 = vector.broadcast %and3A : i32 to vector<16xi32>
      %and3A_209 = arith.andi %add3A_207, %and3A_208 : vector<16xi32>
      %gather3A = tpu.vector_load_idx %arg12[%add3A_201, %and3A_209] : memref<512x32xf32, #tpu.memory_space<vmem>>[vector<16xi32>, vector<16xi32>], vector<16xf32>,
      %gather3A_210 = tpu.vector_load_idx %arg13[%add3A_201, %and3A_209] : memref<512x32xf32, #tpu.memory_space<vmem>>[vector<16xi32>, vector<16xi32>], vector<16xf32>,
      %gather3A_211 = tpu.vector_load_idx %arg14[%add3A_201, %and3A_209] : memref<512x32xf32, #tpu.memory_space<vmem>>[vector<16xi32>, vector<16xi32>], vector<16xf32>,
      %mul3A_212 = arith.mulf %gather3A, %gather3A_210 : vector<16xf32>
      %add3A_213 = arith.addf %broadcast_in_dim3A_202, %mul3A_212 : vector<16xf32>
      %mul3A_214 = arith.mulf %gather3A, %gather3A_211 : vector<16xf32>
      %add3A_215 = arith.addf %broadcast_in_dim3A_204, %mul3A_214 : vector<16xf32>
      %add3A_216 = arith.constant 1 : i32
      %add3A_217 = vector.broadcast %add3A_216 : i32 to vector<16xi32>
      %add3A_218 = arith.addi %iota3A, %add3A_217 : vector<16xi32>
      %and3A_219 = arith.constant 31 : i32
      %and3A_220 = vector.broadcast %and3A_219 : i32 to vector<16xi32>
      %and3A_221 = arith.andi %add3A_218, %and3A_220 : vector<16xi32>
      %gather3A_222 = tpu.vector_load_idx %arg12[%add3A_201, %and3A_221] : memref<512x32xf32, #tpu.memory_space<vmem>>[vector<16xi32>, vector<16xi32>], vector<16xf32>,
      %gather3A_223 = tpu.vector_load_idx %arg13[%add3A_201, %and3A_221] : memref<512x32xf32, #tpu.memory_space<vmem>>[vector<16xi32>, vector<16xi32>], vector<16xf32>,
      %gather3A_224 = tpu.vector_load_idx %arg14[%add3A_201, %and3A_221] : memref<512x32xf32, #tpu.memory_space<vmem>>[vector<16xi32>, vector<16xi32>], vector<16xf32>,
      %mul3A_225 = arith.mulf %gather3A_222, %gather3A_223 : vector<16xf32>
      %add3A_226 = arith.addf %add3A_213, %mul3A_225 : vector<16xf32>
      %mul3A_227 = arith.mulf %gather3A_222, %gather3A_224 : vector<16xf32>
      %add3A_228 = arith.addf %add3A_215, %mul3A_227 : vector<16xf32>
      %add3A_229 = arith.constant 2 : i32
      %add3A_230 = vector.broadcast %add3A_229 : i32 to vector<16xi32>
      %add3A_231 = arith.addi %iota3A, %add3A_230 : vector<16xi32>
      %and3A_232 = arith.constant 31 : i32
      %and3A_233 = vector.broadcast %and3A_232 : i32 to vector<16xi32>
      %and3A_234 = arith.andi %add3A_231, %and3A_233 : vector<16xi32>
      %gather3A_235 = tpu.vector_load_idx %arg12[%add3A_201, %and3A_234] : memref<512x32xf32, #tpu.memory_space<vmem>>[vector<16xi32>, vector<16xi32>], vector<16xf32>,
      %gather3A_236 = tpu.vector_load_idx %arg13[%add3A_201, %and3A_234] : memref<512x32xf32, #tpu.memory_space<vmem>>[vector<16xi32>, vector<16xi32>], vector<16xf32>,
      %gather3A_237 = tpu.vector_load_idx %arg14[%add3A_201, %and3A_234] : memref<512x32xf32, #tpu.memory_space<vmem>>[vector<16xi32>, vector<16xi32>], vector<16xf32>,
      %mul3A_238 = arith.mulf %gather3A_235, %gather3A_236 : vector<16xf32>
      %add3A_239 = arith.addf %add3A_226, %mul3A_238 : vector<16xf32>
      %mul3A_240 = arith.mulf %gather3A_235, %gather3A_237 : vector<16xf32>
      %add3A_241 = arith.addf %add3A_228, %mul3A_240 : vector<16xf32>
      %add3A_242 = arith.constant 3 : i32
      %add3A_243 = vector.broadcast %add3A_242 : i32 to vector<16xi32>
      %add3A_244 = arith.addi %iota3A, %add3A_243 : vector<16xi32>
      %and3A_245 = arith.constant 31 : i32
      %and3A_246 = vector.broadcast %and3A_245 : i32 to vector<16xi32>
      %and3A_247 = arith.andi %add3A_244, %and3A_246 : vector<16xi32>
      %gather3A_248 = tpu.vector_load_idx %arg12[%add3A_201, %and3A_247] : memref<512x32xf32, #tpu.memory_space<vmem>>[vector<16xi32>, vector<16xi32>], vector<16xf32>,
      %gather3A_249 = tpu.vector_load_idx %arg13[%add3A_201, %and3A_247] : memref<512x32xf32, #tpu.memory_space<vmem>>[vector<16xi32>, vector<16xi32>], vector<16xf32>,
      %gather3A_250 = tpu.vector_load_idx %arg14[%add3A_201, %and3A_247] : memref<512x32xf32, #tpu.memory_space<vmem>>[vector<16xi32>, vector<16xi32>], vector<16xf32>,
      %mul3A_251 = arith.mulf %gather3A_248, %gather3A_249 : vector<16xf32>
      %add3A_252 = arith.addf %add3A_239, %mul3A_251 : vector<16xf32>
      %mul3A_253 = arith.mulf %gather3A_248, %gather3A_250 : vector<16xf32>
      %add3A_254 = arith.addf %add3A_241, %mul3A_253 : vector<16xf32>
      %add3A_255 = arith.constant 4 : i32
      %add3A_256 = vector.broadcast %add3A_255 : i32 to vector<16xi32>
      %add3A_257 = arith.addi %iota3A, %add3A_256 : vector<16xi32>
      %and3A_258 = arith.constant 31 : i32
      %and3A_259 = vector.broadcast %and3A_258 : i32 to vector<16xi32>
      %and3A_260 = arith.andi %add3A_257, %and3A_259 : vector<16xi32>
      %gather3A_261 = tpu.vector_load_idx %arg12[%add3A_201, %and3A_260] : memref<512x32xf32, #tpu.memory_space<vmem>>[vector<16xi32>, vector<16xi32>], vector<16xf32>,
      %gather3A_262 = tpu.vector_load_idx %arg13[%add3A_201, %and3A_260] : memref<512x32xf32, #tpu.memory_space<vmem>>[vector<16xi32>, vector<16xi32>], vector<16xf32>,
      %gather3A_263 = tpu.vector_load_idx %arg14[%add3A_201, %and3A_260] : memref<512x32xf32, #tpu.memory_space<vmem>>[vector<16xi32>, vector<16xi32>], vector<16xf32>,
      %mul3A_264 = arith.mulf %gather3A_261, %gather3A_262 : vector<16xf32>
      %add3A_265 = arith.addf %add3A_252, %mul3A_264 : vector<16xf32>
      %mul3A_266 = arith.mulf %gather3A_261, %gather3A_263 : vector<16xf32>
      %add3A_267 = arith.addf %add3A_254, %mul3A_266 : vector<16xf32>
      %add3A_268 = arith.constant 5 : i32
      %add3A_269 = vector.broadcast %add3A_268 : i32 to vector<16xi32>
      %add3A_270 = arith.addi %iota3A, %add3A_269 : vector<16xi32>
      %and3A_271 = arith.constant 31 : i32
      %and3A_272 = vector.broadcast %and3A_271 : i32 to vector<16xi32>
      %and3A_273 = arith.andi %add3A_270, %and3A_272 : vector<16xi32>
      %gather3A_274 = tpu.vector_load_idx %arg12[%add3A_201, %and3A_273] : memref<512x32xf32, #tpu.memory_space<vmem>>[vector<16xi32>, vector<16xi32>], vector<16xf32>,
      %gather3A_275 = tpu.vector_load_idx %arg13[%add3A_201, %and3A_273] : memref<512x32xf32, #tpu.memory_space<vmem>>[vector<16xi32>, vector<16xi32>], vector<16xf32>,
      %gather3A_276 = tpu.vector_load_idx %arg14[%add3A_201, %and3A_273] : memref<512x32xf32, #tpu.memory_space<vmem>>[vector<16xi32>, vector<16xi32>], vector<16xf32>,
      %mul3A_277 = arith.mulf %gather3A_274, %gather3A_275 : vector<16xf32>
      %add3A_278 = arith.addf %add3A_265, %mul3A_277 : vector<16xf32>
      %mul3A_279 = arith.mulf %gather3A_274, %gather3A_276 : vector<16xf32>
      %add3A_280 = arith.addf %add3A_267, %mul3A_279 : vector<16xf32>
      %add3A_281 = arith.constant 6 : i32
      %add3A_282 = vector.broadcast %add3A_281 : i32 to vector<16xi32>
      %add3A_283 = arith.addi %iota3A, %add3A_282 : vector<16xi32>
      %and3A_284 = arith.constant 31 : i32
      %and3A_285 = vector.broadcast %and3A_284 : i32 to vector<16xi32>
      %and3A_286 = arith.andi %add3A_283, %and3A_285 : vector<16xi32>
      %gather3A_287 = tpu.vector_load_idx %arg12[%add3A_201, %and3A_286] : memref<512x32xf32, #tpu.memory_space<vmem>>[vector<16xi32>, vector<16xi32>], vector<16xf32>,
      %gather3A_288 = tpu.vector_load_idx %arg13[%add3A_201, %and3A_286] : memref<512x32xf32, #tpu.memory_space<vmem>>[vector<16xi32>, vector<16xi32>], vector<16xf32>,
      %gather3A_289 = tpu.vector_load_idx %arg14[%add3A_201, %and3A_286] : memref<512x32xf32, #tpu.memory_space<vmem>>[vector<16xi32>, vector<16xi32>], vector<16xf32>,
      %mul3A_290 = arith.mulf %gather3A_287, %gather3A_288 : vector<16xf32>
      %add3A_291 = arith.addf %add3A_278, %mul3A_290 : vector<16xf32>
      %mul3A_292 = arith.mulf %gather3A_287, %gather3A_289 : vector<16xf32>
      %add3A_293 = arith.addf %add3A_280, %mul3A_292 : vector<16xf32>
      %add3A_294 = arith.constant 7 : i32
      %add3A_295 = vector.broadcast %add3A_294 : i32 to vector<16xi32>
      %add3A_296 = arith.addi %iota3A, %add3A_295 : vector<16xi32>
      %and3A_297 = arith.constant 31 : i32
      %and3A_298 = vector.broadcast %and3A_297 : i32 to vector<16xi32>
      %and3A_299 = arith.andi %add3A_296, %and3A_298 : vector<16xi32>
      %gather3A_300 = tpu.vector_load_idx %arg12[%add3A_201, %and3A_299] : memref<512x32xf32, #tpu.memory_space<vmem>>[vector<16xi32>, vector<16xi32>], vector<16xf32>,
      %gather3A_301 = tpu.vector_load_idx %arg13[%add3A_201, %and3A_299] : memref<512x32xf32, #tpu.memory_space<vmem>>[vector<16xi32>, vector<16xi32>], vector<16xf32>,
      %gather3A_302 = tpu.vector_load_idx %arg14[%add3A_201, %and3A_299] : memref<512x32xf32, #tpu.memory_space<vmem>>[vector<16xi32>, vector<16xi32>], vector<16xf32>,
      %mul3A_303 = arith.mulf %gather3A_300, %gather3A_301 : vector<16xf32>
      %add3A_304 = arith.addf %add3A_291, %mul3A_303 : vector<16xf32>
      %mul3A_305 = arith.mulf %gather3A_300, %gather3A_302 : vector<16xf32>
      %add3A_306 = arith.addf %add3A_293, %mul3A_305 : vector<16xf32>
      %add3A_307 = arith.constant 8 : i32
      %add3A_308 = vector.broadcast %add3A_307 : i32 to vector<16xi32>
      %add3A_309 = arith.addi %iota3A, %add3A_308 : vector<16xi32>
      %and3A_310 = arith.constant 31 : i32
      %and3A_311 = vector.broadcast %and3A_310 : i32 to vector<16xi32>
      %and3A_312 = arith.andi %add3A_309, %and3A_311 : vector<16xi32>
      %gather3A_313 = tpu.vector_load_idx %arg12[%add3A_201, %and3A_312] : memref<512x32xf32, #tpu.memory_space<vmem>>[vector<16xi32>, vector<16xi32>], vector<16xf32>,
      %gather3A_314 = tpu.vector_load_idx %arg13[%add3A_201, %and3A_312] : memref<512x32xf32, #tpu.memory_space<vmem>>[vector<16xi32>, vector<16xi32>], vector<16xf32>,
      %gather3A_315 = tpu.vector_load_idx %arg14[%add3A_201, %and3A_312] : memref<512x32xf32, #tpu.memory_space<vmem>>[vector<16xi32>, vector<16xi32>], vector<16xf32>,
      %mul3A_316 = arith.mulf %gather3A_313, %gather3A_314 : vector<16xf32>
      %add3A_317 = arith.addf %add3A_304, %mul3A_316 : vector<16xf32>
      %mul3A_318 = arith.mulf %gather3A_313, %gather3A_315 : vector<16xf32>
      %add3A_319 = arith.addf %add3A_306, %mul3A_318 : vector<16xf32>
      %add3A_320 = arith.constant 9 : i32
      %add3A_321 = vector.broadcast %add3A_320 : i32 to vector<16xi32>
      %add3A_322 = arith.addi %iota3A, %add3A_321 : vector<16xi32>
      %and3A_323 = arith.constant 31 : i32
      %and3A_324 = vector.broadcast %and3A_323 : i32 to vector<16xi32>
      %and3A_325 = arith.andi %add3A_322, %and3A_324 : vector<16xi32>
      %gather3A_326 = tpu.vector_load_idx %arg12[%add3A_201, %and3A_325] : memref<512x32xf32, #tpu.memory_space<vmem>>[vector<16xi32>, vector<16xi32>], vector<16xf32>,
      %gather3A_327 = tpu.vector_load_idx %arg13[%add3A_201, %and3A_325] : memref<512x32xf32, #tpu.memory_space<vmem>>[vector<16xi32>, vector<16xi32>], vector<16xf32>,
      %gather3A_328 = tpu.vector_load_idx %arg14[%add3A_201, %and3A_325] : memref<512x32xf32, #tpu.memory_space<vmem>>[vector<16xi32>, vector<16xi32>], vector<16xf32>,
      %mul3A_329 = arith.mulf %gather3A_326, %gather3A_327 : vector<16xf32>
      %add3A_330 = arith.addf %add3A_317, %mul3A_329 : vector<16xf32>
      %mul3A_331 = arith.mulf %gather3A_326, %gather3A_328 : vector<16xf32>
      %add3A_332 = arith.addf %add3A_319, %mul3A_331 : vector<16xf32>
      %add3A_333 = arith.constant 10 : i32
      %add3A_334 = vector.broadcast %add3A_333 : i32 to vector<16xi32>
      %add3A_335 = arith.addi %iota3A, %add3A_334 : vector<16xi32>
      %and3A_336 = arith.constant 31 : i32
      %and3A_337 = vector.broadcast %and3A_336 : i32 to vector<16xi32>
      %and3A_338 = arith.andi %add3A_335, %and3A_337 : vector<16xi32>
      %gather3A_339 = tpu.vector_load_idx %arg12[%add3A_201, %and3A_338] : memref<512x32xf32, #tpu.memory_space<vmem>>[vector<16xi32>, vector<16xi32>], vector<16xf32>,
      %gather3A_340 = tpu.vector_load_idx %arg13[%add3A_201, %and3A_338] : memref<512x32xf32, #tpu.memory_space<vmem>>[vector<16xi32>, vector<16xi32>], vector<16xf32>,
      %gather3A_341 = tpu.vector_load_idx %arg14[%add3A_201, %and3A_338] : memref<512x32xf32, #tpu.memory_space<vmem>>[vector<16xi32>, vector<16xi32>], vector<16xf32>,
      %mul3A_342 = arith.mulf %gather3A_339, %gather3A_340 : vector<16xf32>
      %add3A_343 = arith.addf %add3A_330, %mul3A_342 : vector<16xf32>
      %mul3A_344 = arith.mulf %gather3A_339, %gather3A_341 : vector<16xf32>
      %add3A_345 = arith.addf %add3A_332, %mul3A_344 : vector<16xf32>
      %add3A_346 = arith.constant 11 : i32
      %add3A_347 = vector.broadcast %add3A_346 : i32 to vector<16xi32>
      %add3A_348 = arith.addi %iota3A, %add3A_347 : vector<16xi32>
      %and3A_349 = arith.constant 31 : i32
      %and3A_350 = vector.broadcast %and3A_349 : i32 to vector<16xi32>
      %and3A_351 = arith.andi %add3A_348, %and3A_350 : vector<16xi32>
      %gather3A_352 = tpu.vector_load_idx %arg12[%add3A_201, %and3A_351] : memref<512x32xf32, #tpu.memory_space<vmem>>[vector<16xi32>, vector<16xi32>], vector<16xf32>,
      %gather3A_353 = tpu.vector_load_idx %arg13[%add3A_201, %and3A_351] : memref<512x32xf32, #tpu.memory_space<vmem>>[vector<16xi32>, vector<16xi32>], vector<16xf32>,
      %gather3A_354 = tpu.vector_load_idx %arg14[%add3A_201, %and3A_351] : memref<512x32xf32, #tpu.memory_space<vmem>>[vector<16xi32>, vector<16xi32>], vector<16xf32>,
      %mul3A_355 = arith.mulf %gather3A_352, %gather3A_353 : vector<16xf32>
      %add3A_356 = arith.addf %add3A_343, %mul3A_355 : vector<16xf32>
      %mul3A_357 = arith.mulf %gather3A_352, %gather3A_354 : vector<16xf32>
      %add3A_358 = arith.addf %add3A_345, %mul3A_357 : vector<16xf32>
      %add3A_359 = arith.constant 12 : i32
      %add3A_360 = vector.broadcast %add3A_359 : i32 to vector<16xi32>
      %add3A_361 = arith.addi %iota3A, %add3A_360 : vector<16xi32>
      %and3A_362 = arith.constant 31 : i32
      %and3A_363 = vector.broadcast %and3A_362 : i32 to vector<16xi32>
      %and3A_364 = arith.andi %add3A_361, %and3A_363 : vector<16xi32>
      %gather3A_365 = tpu.vector_load_idx %arg12[%add3A_201, %and3A_364] : memref<512x32xf32, #tpu.memory_space<vmem>>[vector<16xi32>, vector<16xi32>], vector<16xf32>,
      %gather3A_366 = tpu.vector_load_idx %arg13[%add3A_201, %and3A_364] : memref<512x32xf32, #tpu.memory_space<vmem>>[vector<16xi32>, vector<16xi32>], vector<16xf32>,
      %gather3A_367 = tpu.vector_load_idx %arg14[%add3A_201, %and3A_364] : memref<512x32xf32, #tpu.memory_space<vmem>>[vector<16xi32>, vector<16xi32>], vector<16xf32>,
      %mul3A_368 = arith.mulf %gather3A_365, %gather3A_366 : vector<16xf32>
      %add3A_369 = arith.addf %add3A_356, %mul3A_368 : vector<16xf32>
      %mul3A_370 = arith.mulf %gather3A_365, %gather3A_367 : vector<16xf32>
      %add3A_371 = arith.addf %add3A_358, %mul3A_370 : vector<16xf32>
      %add3A_372 = arith.constant 13 : i32
      %add3A_373 = vector.broadcast %add3A_372 : i32 to vector<16xi32>
      %add3A_374 = arith.addi %iota3A, %add3A_373 : vector<16xi32>
      %and3A_375 = arith.constant 31 : i32
      %and3A_376 = vector.broadcast %and3A_375 : i32 to vector<16xi32>
      %and3A_377 = arith.andi %add3A_374, %and3A_376 : vector<16xi32>
      %gather3A_378 = tpu.vector_load_idx %arg12[%add3A_201, %and3A_377] : memref<512x32xf32, #tpu.memory_space<vmem>>[vector<16xi32>, vector<16xi32>], vector<16xf32>,
      %gather3A_379 = tpu.vector_load_idx %arg13[%add3A_201, %and3A_377] : memref<512x32xf32, #tpu.memory_space<vmem>>[vector<16xi32>, vector<16xi32>], vector<16xf32>,
      %gather3A_380 = tpu.vector_load_idx %arg14[%add3A_201, %and3A_377] : memref<512x32xf32, #tpu.memory_space<vmem>>[vector<16xi32>, vector<16xi32>], vector<16xf32>,
      %mul3A_381 = arith.mulf %gather3A_378, %gather3A_379 : vector<16xf32>
      %add3A_382 = arith.addf %add3A_369, %mul3A_381 : vector<16xf32>
      %mul3A_383 = arith.mulf %gather3A_378, %gather3A_380 : vector<16xf32>
      %add3A_384 = arith.addf %add3A_371, %mul3A_383 : vector<16xf32>
      %add3A_385 = arith.constant 14 : i32
      %add3A_386 = vector.broadcast %add3A_385 : i32 to vector<16xi32>
      %add3A_387 = arith.addi %iota3A, %add3A_386 : vector<16xi32>
      %and3A_388 = arith.constant 31 : i32
      %and3A_389 = vector.broadcast %and3A_388 : i32 to vector<16xi32>
      %and3A_390 = arith.andi %add3A_387, %and3A_389 : vector<16xi32>
      %gather3A_391 = tpu.vector_load_idx %arg12[%add3A_201, %and3A_390] : memref<512x32xf32, #tpu.memory_space<vmem>>[vector<16xi32>, vector<16xi32>], vector<16xf32>,
      %gather3A_392 = tpu.vector_load_idx %arg13[%add3A_201, %and3A_390] : memref<512x32xf32, #tpu.memory_space<vmem>>[vector<16xi32>, vector<16xi32>], vector<16xf32>,
      %gather3A_393 = tpu.vector_load_idx %arg14[%add3A_201, %and3A_390] : memref<512x32xf32, #tpu.memory_space<vmem>>[vector<16xi32>, vector<16xi32>], vector<16xf32>,
      %mul3A_394 = arith.mulf %gather3A_391, %gather3A_392 : vector<16xf32>
      %add3A_395 = arith.addf %add3A_382, %mul3A_394 : vector<16xf32>
      %mul3A_396 = arith.mulf %gather3A_391, %gather3A_393 : vector<16xf32>
      %add3A_397 = arith.addf %add3A_384, %mul3A_396 : vector<16xf32>
      %add3A_398 = arith.constant 15 : i32
      %add3A_399 = vector.broadcast %add3A_398 : i32 to vector<16xi32>
      %add3A_400 = arith.addi %iota3A, %add3A_399 : vector<16xi32>
      %and3A_401 = arith.constant 31 : i32
      %and3A_402 = vector.broadcast %and3A_401 : i32 to vector<16xi32>
      %and3A_403 = arith.andi %add3A_400, %and3A_402 : vector<16xi32>
      %gather3A_404 = tpu.vector_load_idx %arg12[%add3A_201, %and3A_403] : memref<512x32xf32, #tpu.memory_space<vmem>>[vector<16xi32>, vector<16xi32>], vector<16xf32>,
      %gather3A_405 = tpu.vector_load_idx %arg13[%add3A_201, %and3A_403] : memref<512x32xf32, #tpu.memory_space<vmem>>[vector<16xi32>, vector<16xi32>], vector<16xf32>,
      %gather3A_406 = tpu.vector_load_idx %arg14[%add3A_201, %and3A_403] : memref<512x32xf32, #tpu.memory_space<vmem>>[vector<16xi32>, vector<16xi32>], vector<16xf32>,
      %mul3A_407 = arith.mulf %gather3A_404, %gather3A_405 : vector<16xf32>
      %add3A_408 = arith.addf %add3A_395, %mul3A_407 : vector<16xf32>
      %mul3A_409 = arith.mulf %gather3A_404, %gather3A_406 : vector<16xf32>
      %add3A_410 = arith.addf %add3A_397, %mul3A_409 : vector<16xf32>
      %add3A_411 = arith.constant 16 : i32
      %add3A_412 = vector.broadcast %add3A_411 : i32 to vector<16xi32>
      %add3A_413 = arith.addi %iota3A, %add3A_412 : vector<16xi32>
      %and3A_414 = arith.constant 31 : i32
      %and3A_415 = vector.broadcast %and3A_414 : i32 to vector<16xi32>
      %and3A_416 = arith.andi %add3A_413, %and3A_415 : vector<16xi32>
      %gather3A_417 = tpu.vector_load_idx %arg12[%add3A_201, %and3A_416] : memref<512x32xf32, #tpu.memory_space<vmem>>[vector<16xi32>, vector<16xi32>], vector<16xf32>,
      %gather3A_418 = tpu.vector_load_idx %arg13[%add3A_201, %and3A_416] : memref<512x32xf32, #tpu.memory_space<vmem>>[vector<16xi32>, vector<16xi32>], vector<16xf32>,
      %gather3A_419 = tpu.vector_load_idx %arg14[%add3A_201, %and3A_416] : memref<512x32xf32, #tpu.memory_space<vmem>>[vector<16xi32>, vector<16xi32>], vector<16xf32>,
      %mul3A_420 = arith.mulf %gather3A_417, %gather3A_418 : vector<16xf32>
      %add3A_421 = arith.addf %add3A_408, %mul3A_420 : vector<16xf32>
      %mul3A_422 = arith.mulf %gather3A_417, %gather3A_419 : vector<16xf32>
      %add3A_423 = arith.addf %add3A_410, %mul3A_422 : vector<16xf32>
      %add3A_424 = arith.constant 17 : i32
      %add3A_425 = vector.broadcast %add3A_424 : i32 to vector<16xi32>
      %add3A_426 = arith.addi %iota3A, %add3A_425 : vector<16xi32>
      %and3A_427 = arith.constant 31 : i32
      %and3A_428 = vector.broadcast %and3A_427 : i32 to vector<16xi32>
      %and3A_429 = arith.andi %add3A_426, %and3A_428 : vector<16xi32>
      %gather3A_430 = tpu.vector_load_idx %arg12[%add3A_201, %and3A_429] : memref<512x32xf32, #tpu.memory_space<vmem>>[vector<16xi32>, vector<16xi32>], vector<16xf32>,
      %gather3A_431 = tpu.vector_load_idx %arg13[%add3A_201, %and3A_429] : memref<512x32xf32, #tpu.memory_space<vmem>>[vector<16xi32>, vector<16xi32>], vector<16xf32>,
      %gather3A_432 = tpu.vector_load_idx %arg14[%add3A_201, %and3A_429] : memref<512x32xf32, #tpu.memory_space<vmem>>[vector<16xi32>, vector<16xi32>], vector<16xf32>,
      %mul3A_433 = arith.mulf %gather3A_430, %gather3A_431 : vector<16xf32>
      %add3A_434 = arith.addf %add3A_421, %mul3A_433 : vector<16xf32>
      %mul3A_435 = arith.mulf %gather3A_430, %gather3A_432 : vector<16xf32>
      %add3A_436 = arith.addf %add3A_423, %mul3A_435 : vector<16xf32>
      %add3A_437 = arith.constant 18 : i32
      %add3A_438 = vector.broadcast %add3A_437 : i32 to vector<16xi32>
      %add3A_439 = arith.addi %iota3A, %add3A_438 : vector<16xi32>
      %and3A_440 = arith.constant 31 : i32
      %and3A_441 = vector.broadcast %and3A_440 : i32 to vector<16xi32>
      %and3A_442 = arith.andi %add3A_439, %and3A_441 : vector<16xi32>
      %gather3A_443 = tpu.vector_load_idx %arg12[%add3A_201, %and3A_442] : memref<512x32xf32, #tpu.memory_space<vmem>>[vector<16xi32>, vector<16xi32>], vector<16xf32>,
      %gather3A_444 = tpu.vector_load_idx %arg13[%add3A_201, %and3A_442] : memref<512x32xf32, #tpu.memory_space<vmem>>[vector<16xi32>, vector<16xi32>], vector<16xf32>,
      %gather3A_445 = tpu.vector_load_idx %arg14[%add3A_201, %and3A_442] : memref<512x32xf32, #tpu.memory_space<vmem>>[vector<16xi32>, vector<16xi32>], vector<16xf32>,
      %mul3A_446 = arith.mulf %gather3A_443, %gather3A_444 : vector<16xf32>
      %add3A_447 = arith.addf %add3A_434, %mul3A_446 : vector<16xf32>
      %mul3A_448 = arith.mulf %gather3A_443, %gather3A_445 : vector<16xf32>
      %add3A_449 = arith.addf %add3A_436, %mul3A_448 : vector<16xf32>
      %add3A_450 = arith.constant 19 : i32
      %add3A_451 = vector.broadcast %add3A_450 : i32 to vector<16xi32>
      %add3A_452 = arith.addi %iota3A, %add3A_451 : vector<16xi32>
      %and3A_453 = arith.constant 31 : i32
      %and3A_454 = vector.broadcast %and3A_453 : i32 to vector<16xi32>
      %and3A_455 = arith.andi %add3A_452, %and3A_454 : vector<16xi32>
      %gather3A_456 = tpu.vector_load_idx %arg12[%add3A_201, %and3A_455] : memref<512x32xf32, #tpu.memory_space<vmem>>[vector<16xi32>, vector<16xi32>], vector<16xf32>,
      %gather3A_457 = tpu.vector_load_idx %arg13[%add3A_201, %and3A_455] : memref<512x32xf32, #tpu.memory_space<vmem>>[vector<16xi32>, vector<16xi32>], vector<16xf32>,
      %gather3A_458 = tpu.vector_load_idx %arg14[%add3A_201, %and3A_455] : memref<512x32xf32, #tpu.memory_space<vmem>>[vector<16xi32>, vector<16xi32>], vector<16xf32>,
      %mul3A_459 = arith.mulf %gather3A_456, %gather3A_457 : vector<16xf32>
      %add3A_460 = arith.addf %add3A_447, %mul3A_459 : vector<16xf32>
      %mul3A_461 = arith.mulf %gather3A_456, %gather3A_458 : vector<16xf32>
      %add3A_462 = arith.addf %add3A_449, %mul3A_461 : vector<16xf32>
      %add3A_463 = arith.constant 20 : i32
      %add3A_464 = vector.broadcast %add3A_463 : i32 to vector<16xi32>
      %add3A_465 = arith.addi %iota3A, %add3A_464 : vector<16xi32>
      %and3A_466 = arith.constant 31 : i32
      %and3A_467 = vector.broadcast %and3A_466 : i32 to vector<16xi32>
      %and3A_468 = arith.andi %add3A_465, %and3A_467 : vector<16xi32>
      %gather3A_469 = tpu.vector_load_idx %arg12[%add3A_201, %and3A_468] : memref<512x32xf32, #tpu.memory_space<vmem>>[vector<16xi32>, vector<16xi32>], vector<16xf32>,
      %gather3A_470 = tpu.vector_load_idx %arg13[%add3A_201, %and3A_468] : memref<512x32xf32, #tpu.memory_space<vmem>>[vector<16xi32>, vector<16xi32>], vector<16xf32>,
      %gather3A_471 = tpu.vector_load_idx %arg14[%add3A_201, %and3A_468] : memref<512x32xf32, #tpu.memory_space<vmem>>[vector<16xi32>, vector<16xi32>], vector<16xf32>,
      %mul3A_472 = arith.mulf %gather3A_469, %gather3A_470 : vector<16xf32>
      %add3A_473 = arith.addf %add3A_460, %mul3A_472 : vector<16xf32>
      %mul3A_474 = arith.mulf %gather3A_469, %gather3A_471 : vector<16xf32>
      %add3A_475 = arith.addf %add3A_462, %mul3A_474 : vector<16xf32>
      %add3A_476 = arith.constant 21 : i32
      %add3A_477 = vector.broadcast %add3A_476 : i32 to vector<16xi32>
      %add3A_478 = arith.addi %iota3A, %add3A_477 : vector<16xi32>
      %and3A_479 = arith.constant 31 : i32
      %and3A_480 = vector.broadcast %and3A_479 : i32 to vector<16xi32>
      %and3A_481 = arith.andi %add3A_478, %and3A_480 : vector<16xi32>
      %gather3A_482 = tpu.vector_load_idx %arg12[%add3A_201, %and3A_481] : memref<512x32xf32, #tpu.memory_space<vmem>>[vector<16xi32>, vector<16xi32>], vector<16xf32>,
      %gather3A_483 = tpu.vector_load_idx %arg13[%add3A_201, %and3A_481] : memref<512x32xf32, #tpu.memory_space<vmem>>[vector<16xi32>, vector<16xi32>], vector<16xf32>,
      %gather3A_484 = tpu.vector_load_idx %arg14[%add3A_201, %and3A_481] : memref<512x32xf32, #tpu.memory_space<vmem>>[vector<16xi32>, vector<16xi32>], vector<16xf32>,
      %mul3A_485 = arith.mulf %gather3A_482, %gather3A_483 : vector<16xf32>
      %add3A_486 = arith.addf %add3A_473, %mul3A_485 : vector<16xf32>
      %mul3A_487 = arith.mulf %gather3A_482, %gather3A_484 : vector<16xf32>
      %add3A_488 = arith.addf %add3A_475, %mul3A_487 : vector<16xf32>
      %add3A_489 = arith.constant 22 : i32
      %add3A_490 = vector.broadcast %add3A_489 : i32 to vector<16xi32>
      %add3A_491 = arith.addi %iota3A, %add3A_490 : vector<16xi32>
      %and3A_492 = arith.constant 31 : i32
      %and3A_493 = vector.broadcast %and3A_492 : i32 to vector<16xi32>
      %and3A_494 = arith.andi %add3A_491, %and3A_493 : vector<16xi32>
      %gather3A_495 = tpu.vector_load_idx %arg12[%add3A_201, %and3A_494] : memref<512x32xf32, #tpu.memory_space<vmem>>[vector<16xi32>, vector<16xi32>], vector<16xf32>,
      %gather3A_496 = tpu.vector_load_idx %arg13[%add3A_201, %and3A_494] : memref<512x32xf32, #tpu.memory_space<vmem>>[vector<16xi32>, vector<16xi32>], vector<16xf32>,
      %gather3A_497 = tpu.vector_load_idx %arg14[%add3A_201, %and3A_494] : memref<512x32xf32, #tpu.memory_space<vmem>>[vector<16xi32>, vector<16xi32>], vector<16xf32>,
      %mul3A_498 = arith.mulf %gather3A_495, %gather3A_496 : vector<16xf32>
      %add3A_499 = arith.addf %add3A_486, %mul3A_498 : vector<16xf32>
      %mul3A_500 = arith.mulf %gather3A_495, %gather3A_497 : vector<16xf32>
      %add3A_501 = arith.addf %add3A_488, %mul3A_500 : vector<16xf32>
      %add3A_502 = arith.constant 23 : i32
      %add3A_503 = vector.broadcast %add3A_502 : i32 to vector<16xi32>
      %add3A_504 = arith.addi %iota3A, %add3A_503 : vector<16xi32>
      %and3A_505 = arith.constant 31 : i32
      %and3A_506 = vector.broadcast %and3A_505 : i32 to vector<16xi32>
      %and3A_507 = arith.andi %add3A_504, %and3A_506 : vector<16xi32>
      %gather3A_508 = tpu.vector_load_idx %arg12[%add3A_201, %and3A_507] : memref<512x32xf32, #tpu.memory_space<vmem>>[vector<16xi32>, vector<16xi32>], vector<16xf32>,
      %gather3A_509 = tpu.vector_load_idx %arg13[%add3A_201, %and3A_507] : memref<512x32xf32, #tpu.memory_space<vmem>>[vector<16xi32>, vector<16xi32>], vector<16xf32>,
      %gather3A_510 = tpu.vector_load_idx %arg14[%add3A_201, %and3A_507] : memref<512x32xf32, #tpu.memory_space<vmem>>[vector<16xi32>, vector<16xi32>], vector<16xf32>,
      %mul3A_511 = arith.mulf %gather3A_508, %gather3A_509 : vector<16xf32>
      %add3A_512 = arith.addf %add3A_499, %mul3A_511 : vector<16xf32>
      %mul3A_513 = arith.mulf %gather3A_508, %gather3A_510 : vector<16xf32>
      %add3A_514 = arith.addf %add3A_501, %mul3A_513 : vector<16xf32>
      %add3A_515 = arith.constant 24 : i32
      %add3A_516 = vector.broadcast %add3A_515 : i32 to vector<16xi32>
      %add3A_517 = arith.addi %iota3A, %add3A_516 : vector<16xi32>
      %and3A_518 = arith.constant 31 : i32
      %and3A_519 = vector.broadcast %and3A_518 : i32 to vector<16xi32>
      %and3A_520 = arith.andi %add3A_517, %and3A_519 : vector<16xi32>
      %gather3A_521 = tpu.vector_load_idx %arg12[%add3A_201, %and3A_520] : memref<512x32xf32, #tpu.memory_space<vmem>>[vector<16xi32>, vector<16xi32>], vector<16xf32>,
      %gather3A_522 = tpu.vector_load_idx %arg13[%add3A_201, %and3A_520] : memref<512x32xf32, #tpu.memory_space<vmem>>[vector<16xi32>, vector<16xi32>], vector<16xf32>,
      %gather3A_523 = tpu.vector_load_idx %arg14[%add3A_201, %and3A_520] : memref<512x32xf32, #tpu.memory_space<vmem>>[vector<16xi32>, vector<16xi32>], vector<16xf32>,
      %mul3A_524 = arith.mulf %gather3A_521, %gather3A_522 : vector<16xf32>
      %add3A_525 = arith.addf %add3A_512, %mul3A_524 : vector<16xf32>
      %mul3A_526 = arith.mulf %gather3A_521, %gather3A_523 : vector<16xf32>
      %add3A_527 = arith.addf %add3A_514, %mul3A_526 : vector<16xf32>
      %add3A_528 = arith.constant 25 : i32
      %add3A_529 = vector.broadcast %add3A_528 : i32 to vector<16xi32>
      %add3A_530 = arith.addi %iota3A, %add3A_529 : vector<16xi32>
      %and3A_531 = arith.constant 31 : i32
      %and3A_532 = vector.broadcast %and3A_531 : i32 to vector<16xi32>
      %and3A_533 = arith.andi %add3A_530, %and3A_532 : vector<16xi32>
      %gather3A_534 = tpu.vector_load_idx %arg12[%add3A_201, %and3A_533] : memref<512x32xf32, #tpu.memory_space<vmem>>[vector<16xi32>, vector<16xi32>], vector<16xf32>,
      %gather3A_535 = tpu.vector_load_idx %arg13[%add3A_201, %and3A_533] : memref<512x32xf32, #tpu.memory_space<vmem>>[vector<16xi32>, vector<16xi32>], vector<16xf32>,
      %gather3A_536 = tpu.vector_load_idx %arg14[%add3A_201, %and3A_533] : memref<512x32xf32, #tpu.memory_space<vmem>>[vector<16xi32>, vector<16xi32>], vector<16xf32>,
      %mul3A_537 = arith.mulf %gather3A_534, %gather3A_535 : vector<16xf32>
      %add3A_538 = arith.addf %add3A_525, %mul3A_537 : vector<16xf32>
      %mul3A_539 = arith.mulf %gather3A_534, %gather3A_536 : vector<16xf32>
      %add3A_540 = arith.addf %add3A_527, %mul3A_539 : vector<16xf32>
      %add3A_541 = arith.constant 26 : i32
      %add3A_542 = vector.broadcast %add3A_541 : i32 to vector<16xi32>
      %add3A_543 = arith.addi %iota3A, %add3A_542 : vector<16xi32>
      %and3A_544 = arith.constant 31 : i32
      %and3A_545 = vector.broadcast %and3A_544 : i32 to vector<16xi32>
      %and3A_546 = arith.andi %add3A_543, %and3A_545 : vector<16xi32>
      %gather3A_547 = tpu.vector_load_idx %arg12[%add3A_201, %and3A_546] : memref<512x32xf32, #tpu.memory_space<vmem>>[vector<16xi32>, vector<16xi32>], vector<16xf32>,
      %gather3A_548 = tpu.vector_load_idx %arg13[%add3A_201, %and3A_546] : memref<512x32xf32, #tpu.memory_space<vmem>>[vector<16xi32>, vector<16xi32>], vector<16xf32>,
      %gather3A_549 = tpu.vector_load_idx %arg14[%add3A_201, %and3A_546] : memref<512x32xf32, #tpu.memory_space<vmem>>[vector<16xi32>, vector<16xi32>], vector<16xf32>,
      %mul3A_550 = arith.mulf %gather3A_547, %gather3A_548 : vector<16xf32>
      %add3A_551 = arith.addf %add3A_538, %mul3A_550 : vector<16xf32>
      %mul3A_552 = arith.mulf %gather3A_547, %gather3A_549 : vector<16xf32>
      %add3A_553 = arith.addf %add3A_540, %mul3A_552 : vector<16xf32>
      %add3A_554 = arith.constant 27 : i32
      %add3A_555 = vector.broadcast %add3A_554 : i32 to vector<16xi32>
      %add3A_556 = arith.addi %iota3A, %add3A_555 : vector<16xi32>
      %and3A_557 = arith.constant 31 : i32
      %and3A_558 = vector.broadcast %and3A_557 : i32 to vector<16xi32>
      %and3A_559 = arith.andi %add3A_556, %and3A_558 : vector<16xi32>
      %gather3A_560 = tpu.vector_load_idx %arg12[%add3A_201, %and3A_559] : memref<512x32xf32, #tpu.memory_space<vmem>>[vector<16xi32>, vector<16xi32>], vector<16xf32>,
      %gather3A_561 = tpu.vector_load_idx %arg13[%add3A_201, %and3A_559] : memref<512x32xf32, #tpu.memory_space<vmem>>[vector<16xi32>, vector<16xi32>], vector<16xf32>,
      %gather3A_562 = tpu.vector_load_idx %arg14[%add3A_201, %and3A_559] : memref<512x32xf32, #tpu.memory_space<vmem>>[vector<16xi32>, vector<16xi32>], vector<16xf32>,
      %mul3A_563 = arith.mulf %gather3A_560, %gather3A_561 : vector<16xf32>
      %add3A_564 = arith.addf %add3A_551, %mul3A_563 : vector<16xf32>
      %mul3A_565 = arith.mulf %gather3A_560, %gather3A_562 : vector<16xf32>
      %add3A_566 = arith.addf %add3A_553, %mul3A_565 : vector<16xf32>
      %add3A_567 = arith.constant 28 : i32
      %add3A_568 = vector.broadcast %add3A_567 : i32 to vector<16xi32>
      %add3A_569 = arith.addi %iota3A, %add3A_568 : vector<16xi32>
      %and3A_570 = arith.constant 31 : i32
      %and3A_571 = vector.broadcast %and3A_570 : i32 to vector<16xi32>
      %and3A_572 = arith.andi %add3A_569, %and3A_571 : vector<16xi32>
      %gather3A_573 = tpu.vector_load_idx %arg12[%add3A_201, %and3A_572] : memref<512x32xf32, #tpu.memory_space<vmem>>[vector<16xi32>, vector<16xi32>], vector<16xf32>,
      %gather3A_574 = tpu.vector_load_idx %arg13[%add3A_201, %and3A_572] : memref<512x32xf32, #tpu.memory_space<vmem>>[vector<16xi32>, vector<16xi32>], vector<16xf32>,
      %gather3A_575 = tpu.vector_load_idx %arg14[%add3A_201, %and3A_572] : memref<512x32xf32, #tpu.memory_space<vmem>>[vector<16xi32>, vector<16xi32>], vector<16xf32>,
      %mul3A_576 = arith.mulf %gather3A_573, %gather3A_574 : vector<16xf32>
      %add3A_577 = arith.addf %add3A_564, %mul3A_576 : vector<16xf32>
      %mul3A_578 = arith.mulf %gather3A_573, %gather3A_575 : vector<16xf32>
      %add3A_579 = arith.addf %add3A_566, %mul3A_578 : vector<16xf32>
      %add3A_580 = arith.constant 29 : i32
      %add3A_581 = vector.broadcast %add3A_580 : i32 to vector<16xi32>
      %add3A_582 = arith.addi %iota3A, %add3A_581 : vector<16xi32>
      %and3A_583 = arith.constant 31 : i32
      %and3A_584 = vector.broadcast %and3A_583 : i32 to vector<16xi32>
      %and3A_585 = arith.andi %add3A_582, %and3A_584 : vector<16xi32>
      %gather3A_586 = tpu.vector_load_idx %arg12[%add3A_201, %and3A_585] : memref<512x32xf32, #tpu.memory_space<vmem>>[vector<16xi32>, vector<16xi32>], vector<16xf32>,
      %gather3A_587 = tpu.vector_load_idx %arg13[%add3A_201, %and3A_585] : memref<512x32xf32, #tpu.memory_space<vmem>>[vector<16xi32>, vector<16xi32>], vector<16xf32>,
      %gather3A_588 = tpu.vector_load_idx %arg14[%add3A_201, %and3A_585] : memref<512x32xf32, #tpu.memory_space<vmem>>[vector<16xi32>, vector<16xi32>], vector<16xf32>,
      %mul3A_589 = arith.mulf %gather3A_586, %gather3A_587 : vector<16xf32>
      %add3A_590 = arith.addf %add3A_577, %mul3A_589 : vector<16xf32>
      %mul3A_591 = arith.mulf %gather3A_586, %gather3A_588 : vector<16xf32>
      %add3A_592 = arith.addf %add3A_579, %mul3A_591 : vector<16xf32>
      %add3A_593 = arith.constant 30 : i32
      %add3A_594 = vector.broadcast %add3A_593 : i32 to vector<16xi32>
      %add3A_595 = arith.addi %iota3A, %add3A_594 : vector<16xi32>
      %and3A_596 = arith.constant 31 : i32
      %and3A_597 = vector.broadcast %and3A_596 : i32 to vector<16xi32>
      %and3A_598 = arith.andi %add3A_595, %and3A_597 : vector<16xi32>
      %gather3A_599 = tpu.vector_load_idx %arg12[%add3A_201, %and3A_598] : memref<512x32xf32, #tpu.memory_space<vmem>>[vector<16xi32>, vector<16xi32>], vector<16xf32>,
      %gather3A_600 = tpu.vector_load_idx %arg13[%add3A_201, %and3A_598] : memref<512x32xf32, #tpu.memory_space<vmem>>[vector<16xi32>, vector<16xi32>], vector<16xf32>,
      %gather3A_601 = tpu.vector_load_idx %arg14[%add3A_201, %and3A_598] : memref<512x32xf32, #tpu.memory_space<vmem>>[vector<16xi32>, vector<16xi32>], vector<16xf32>,
      %mul3A_602 = arith.mulf %gather3A_599, %gather3A_600 : vector<16xf32>
      %add3A_603 = arith.addf %add3A_590, %mul3A_602 : vector<16xf32>
      %mul3A_604 = arith.mulf %gather3A_599, %gather3A_601 : vector<16xf32>
      %add3A_605 = arith.addf %add3A_592, %mul3A_604 : vector<16xf32>
      %add3A_606 = arith.constant 31 : i32
      %add3A_607 = vector.broadcast %add3A_606 : i32 to vector<16xi32>
      %add3A_608 = arith.addi %iota3A, %add3A_607 : vector<16xi32>
      %and3A_609 = arith.constant 31 : i32
      %and3A_610 = vector.broadcast %and3A_609 : i32 to vector<16xi32>
      %and3A_611 = arith.andi %add3A_608, %and3A_610 : vector<16xi32>
      %gather3A_612 = tpu.vector_load_idx %arg12[%add3A_201, %and3A_611] : memref<512x32xf32, #tpu.memory_space<vmem>>[vector<16xi32>, vector<16xi32>], vector<16xf32>,
      %gather3A_613 = tpu.vector_load_idx %arg13[%add3A_201, %and3A_611] : memref<512x32xf32, #tpu.memory_space<vmem>>[vector<16xi32>, vector<16xi32>], vector<16xf32>,
      %gather3A_614 = tpu.vector_load_idx %arg14[%add3A_201, %and3A_611] : memref<512x32xf32, #tpu.memory_space<vmem>>[vector<16xi32>, vector<16xi32>], vector<16xf32>,
      %mul3A_615 = arith.mulf %gather3A_612, %gather3A_613 : vector<16xf32>
      %add3A_616 = arith.addf %add3A_603, %mul3A_615 : vector<16xf32>
      %mul3A_617 = arith.mulf %gather3A_612, %gather3A_614 : vector<16xf32>
      %add3A_618 = arith.addf %add3A_605, %mul3A_617 : vector<16xf32>
      %mul3A_619 = arith.constant 16 : i32
      %mul3A_620 = arith.muli %scan3A_197, %mul3A_619 : i32
      %swap3A = arith.index_cast %mul3A_620 : i32 to index
      %swap3A_621 = tpu.vector_load %arg15[%swap3A] {strides = array<i32>} : memref<512xf32, #tpu.memory_space<vmem>>, vector<16xf32>,
      tpu.vector_store %arg15[%swap3A], %add3A_616 {strides = array<i32>} : memref<512xf32, #tpu.memory_space<vmem>>, vector<16xf32>,
      %mul3A_622 = arith.constant 16 : i32
      %mul3A_623 = arith.muli %scan3A_197, %mul3A_622 : i32
      %swap3A_624 = arith.index_cast %mul3A_623 : i32 to index
      %swap3A_625 = tpu.vector_load %arg16[%swap3A_624] {strides = array<i32>} : memref<512xf32, #tpu.memory_space<vmem>>, vector<16xf32>,
      tpu.vector_store %arg16[%swap3A_624], %add3A_618 {strides = array<i32>} : memref<512xf32, #tpu.memory_space<vmem>>, vector<16xf32>,
    }
    %scan3A_196 = arith.constant 32 : i32
    "tpu.region"() ({
      %run_scoped3A = tpu.sem_alloc : memref<!tpu.dma_semaphore, #tpu.memory_space<semaphore_mem>>
      %dma_start3A_197 = tpu.memref_slice %arg7[%mul3A_2] : memref<16384xf32, #tpu.memory_space<hbm>> -> memref<512xf32, #tpu.memory_space<hbm>>
      %dma_start3A_198 = tpu.memref_slice %arg7[%mul3A_2] : memref<16384xf32, #tpu.memory_space<hbm>> -> memref<512xf32, #tpu.memory_space<hbm>>
      tpu.enqueue_dma source(%arg15 : memref<512xf32, #tpu.memory_space<vmem>>) target(%dma_start3A_198 : memref<512xf32, #tpu.memory_space<hbm>>) target_semaphore(%run_scoped3A : memref<!tpu.dma_semaphore, #tpu.memory_space<semaphore_mem>>)
      %dma_wait3A_199 = tpu.memref_slice %arg7[%mul3A_2] : memref<16384xf32, #tpu.memory_space<hbm>> -> memref<512xf32, #tpu.memory_space<hbm>>
      %dma_wait3A_200 = tpu.memref_slice %arg7[%mul3A_2] : memref<16384xf32, #tpu.memory_space<hbm>> -> memref<512xf32, #tpu.memory_space<hbm>>
      tpu.wait_dma2 semaphore(%run_scoped3A : memref<!tpu.dma_semaphore, #tpu.memory_space<semaphore_mem>>) src(%arg15 : memref<512xf32, #tpu.memory_space<vmem>>) dst(%dma_wait3A_200 : memref<512xf32, #tpu.memory_space<hbm>>)
      tpu.yield
    }) : () -> ()
    "tpu.region"() ({
      %run_scoped3A = tpu.sem_alloc : memref<!tpu.dma_semaphore, #tpu.memory_space<semaphore_mem>>
      %dma_start3A_197 = tpu.memref_slice %arg8[%mul3A_2] : memref<16384xf32, #tpu.memory_space<hbm>> -> memref<512xf32, #tpu.memory_space<hbm>>
      %dma_start3A_198 = tpu.memref_slice %arg8[%mul3A_2] : memref<16384xf32, #tpu.memory_space<hbm>> -> memref<512xf32, #tpu.memory_space<hbm>>
      tpu.enqueue_dma source(%arg16 : memref<512xf32, #tpu.memory_space<vmem>>) target(%dma_start3A_198 : memref<512xf32, #tpu.memory_space<hbm>>) target_semaphore(%run_scoped3A : memref<!tpu.dma_semaphore, #tpu.memory_space<semaphore_mem>>)
      %dma_wait3A_199 = tpu.memref_slice %arg8[%mul3A_2] : memref<16384xf32, #tpu.memory_space<hbm>> -> memref<512xf32, #tpu.memory_space<hbm>>
      %dma_wait3A_200 = tpu.memref_slice %arg8[%mul3A_2] : memref<16384xf32, #tpu.memory_space<hbm>> -> memref<512xf32, #tpu.memory_space<hbm>>
      tpu.wait_dma2 semaphore(%run_scoped3A : memref<!tpu.dma_semaphore, #tpu.memory_space<semaphore_mem>>) src(%arg16 : memref<512xf32, #tpu.memory_space<vmem>>) dst(%dma_wait3A_200 : memref<512xf32, #tpu.memory_space<hbm>>)
      tpu.yield
    }) : () -> ()
    return
  }
}

</mosaic_0001>

<sc_bundles>
// kernel: kernel.3.cloned.1.call-start
scs
__scs_entry_jumppad:
0x0: {  	(pc) =	sbr.rel $0x88, $3  }
0x1: {  	(tag) =	ssettag $0x0;
	lr =	simm.s32 $0x1  }
0x2: {  	[smem:$0x3F9C] =	sst lr;
	_ =	strace $0xD0000000  }
0x3: {  	_ = 	snop  }
0x4: {  	_ = 	snop  }
0x5: {  	_ = 	snop  }
0x6: {  	_ = 	snop  }
0x7: {  	_ = 	snop  }
__scs_overlays_trampoline_lowered:
0x8: {  	[smem:$0x3FAB] =	sst s0  }
0x9: {  	[smem:$0x3FAC] =	sst s1  }
0xa: {  	[smem:$0x3FAD] =	sst s2  }
0xb: {  	[smem:$0x3FAE] =	sst s3  }
0xc: {  	[smem:$0x3FAF] =	sst s4  }
0xd: {  	[smem:$0x3FB0] =	sst s5  }
0xe: {  	[smem:$0x3FB1] =	sst s6  }
0xf: {  	[smem:$0x3FB2] =	sst s7  }
0x10: {  	[smem:$0x3FB3] =	sst s8  }
0x11: {  	[smem:$0x3FB4] =	sst s9;
	s0 =	simm.s32 @!p0 $0x0  }
0x12: {  	s1 =	sld [smem:$0x3F9A];
	s0 =	simm.s32 @p0 $0x1  }
0x13: {  	[smem:$0x3FB5] =	sst s0;
	s0 =	simm.s32 @!p1 $0x0  }
0x14: {  	s2 =	sld [smem:$0x3F99];
	s0 =	simm.s32 @p1 $0x1  }
0x15: {  	[smem:$0x3FB6] =	sst s0;
	s0 =	simm.s32 @!p2 $0x0  }
0x16: {  	s3 =	sld [smem:$0x3FDB];
	s0 =	simm.s32 @p2 $0x1  }
0x17: {  	s4 =	simm.s32 $0x1BF5;
	[smem:$0x3FB8] =	sst s0  }
0x18: {  	s0 =	sld [smem:$0x3F9B];
	_ =	swait.ge [sflag:s4], $0x0  }
0x19: {  	s7 =	sld [smem:$0x3F9C]  }
0x1a: {  	s8 =	sadd.s32 $0xFFFFE003, lr  }
0x1b: {  	s9 =	sadd.s32 $0xFFFFFEF7, lr;
	s5 =	simm.s32 $0xFFFFFFFF;
	p2 =	slt.u32 s8, $0xFFFFF086  }
0x1c: {  	p1 =	slt.u32 s9, $0xF7A;
	s5 =	simm.s32 @!p2 $0x0  }
0x1d: {  	s5 =	simm.s32 @p1 $0x1;
	p0 =	seq.s32 s7, s2  }
0x1e: {  	s7 =	smul.u32 @!p0 $0xF7A, s2;
	p2 =	seq.s32 @!p0 s5, $0x0  }
0x1f: {  	s9 =	smul.u32 $0xF7A, s1;
	s8 =	simm.s32 @!p0 $0x1BF5;
	p2 =	por !p2, p0  }
0x20: {  	[sflag:s8] =	ssyncset.s32 @!p0 $0xFFFFF086;
	s6 =	sadd.s32 @!p0 s3, s7;
	s7 =	simm.s32 @!p0 $0x108  }
0x21: {  	s3 =	sadd.s32 s3, s9;
	s6 =	sadd.s32 @!p0 $0x88, s6;
	s7 =	simm.s32 @p2 $0x1082  }
0x22: {  	[simem:s7], [sflag:s8] =	dma.local @!p0 [hbm:s6], $0xF7A  }
0x23: {  	s9 =	sor.u32 $0xD0000000, s2;
	s6 =	simm.s32 $0x108;
	_ =	swait.ge @!p0 [sflag:s8], $0x0  }
0x24: {  	s3 =	sadd.s32 $0x88, s3;
	s6 =	simm.s32 @!p1 $0x1082;
	[sflag:s4] =	ssyncset.s32 $0xFFFFF086  }
0x25: {  	[simem:s6], [sflag:s4] =	dma.local [hbm:s3], $0xF7A  }
0x26: {  	[smem:$0x3F9C] =	sst s1;
	(tag) =	ssettag s2;
	_ =	strace s9  }
0x27: {  	s1 =	sld [smem:$0x3FAC]  }
0x28: {  	s2 =	sld [smem:$0x3FAD]  }
0x29: {  	s4 =	sld [smem:$0x3FAF]  }
0x2a: {  	p0 =	seq.s32 s5, $0x0;
	s5 =	sld [smem:$0x3FB0]  }
0x2b: {  	s6 =	sld [smem:$0x3FB1]  }
0x2c: {  	s7 =	sld [smem:$0x3FB2]  }
0x2d: {  	s3 =	simm.s32 $0x108;
	s8 =	sld [smem:$0x3FB3]  }
0x2e: {  	s3 =	simm.s32 @!p0 $0x1082;
	s9 =	sld [smem:$0x3FB4]  }
0x2f: {  	lr =	sadd.s32 s0, s3;
	s0 =	sld [smem:$0x3FAB]  }
0x30: {  	s3 =	sld [smem:$0x3FAE]  }
0x31: {  	[smem:$0x3FB7] =	sst s10  }
0x32: {  	s10 =	sld [smem:$0x3FB5];
	_ =	sdelay $0x3  }
0x33: {  	p0 =	seq.s32 s10, $0x1;
	s10 =	sld [smem:$0x3FB7];
	_ =	sdelay $0x3  }
0x34: {  	[smem:$0x3FB7] =	sst s10  }
0x35: {  	s10 =	sld [smem:$0x3FB6];
	_ =	sdelay $0x3  }
0x36: {  	p1 =	seq.s32 s10, $0x1;
	s10 =	sld [smem:$0x3FB7];
	_ =	sdelay $0x3  }
0x37: {  	[smem:$0x3FB7] =	sst s10  }
0x38: {  	s10 =	sld [smem:$0x3FB8]  }
0x39: {  	_ = 	snop;
	(pc) =	sbr.ind lr, $3  }
0x3a: {  	_ = 	snop  }
0x3b: {  	_ = 	snop  }
0x3c: {  	p2 =	seq.s32 s10, $0x1;
	s10 =	sld [smem:$0x3FB7]  }
0x3d: {  	_ =	shalt  }
0x3e: {  	_ =	shalt  }
0x3f: {  	_ =	shalt  }
0x40: {  	_ =	shalt  }
0x41: {  	_ =	shalt  }
0x42: {  	_ =	shalt  }
0x43: {  	_ =	shalt  }
0x44: {  	_ =	shalt  }
0x45: {  	_ =	shalt  }
0x46: {  	_ =	shalt  }
0x47: {  	_ =	shalt  }
0x48: {  	_ =	shalt  }
0x49: {  	_ =	shalt  }
0x4a: {  	_ =	shalt  }
0x4b: {  	_ =	shalt  }
0x4c: {  	_ =	shalt  }
0x4d: {  	_ =	shalt  }
0x4e: {  	_ =	shalt  }
0x4f: {  	_ =	shalt  }
0x50: {  	_ =	shalt  }
0x51: {  	_ =	shalt  }
0x52: {  	_ =	shalt  }
0x53: {  	_ =	shalt  }
0x54: {  	_ =	shalt  }
0x55: {  	_ =	shalt  }
0x56: {  	_ =	shalt  }
0x57: {  	_ =	shalt  }
0x58: {  	_ =	shalt  }
0x59: {  	_ =	shalt  }
0x5a: {  	_ =	shalt  }
0x5b: {  	_ =	shalt  }
0x5c: {  	_ =	shalt  }
0x5d: {  	_ =	shalt  }
0x5e: {  	_ =	shalt  }
0x5f: {  	_ =	shalt  }
0x60: {  	_ =	shalt  }
0x61: {  	_ =	shalt  }
0x62: {  	_ =	shalt  }
0x63: {  	_ =	shalt  }
0x64: {  	_ =	shalt  }
0x65: {  	_ =	shalt  }
0x66: {  	_ =	shalt  }
0x67: {  	_ =	shalt  }
0x68: {  	_ =	shalt  }
0x69: {  	_ =	shalt  }
0x6a: {  	_ =	shalt  }
0x6b: {  	_ =	shalt  }
0x6c: {  	_ =	shalt  }
0x6d: {  	_ =	shalt  }
0x6e: {  	_ =	shalt  }
0x6f: {  	_ =	shalt  }
0x70: {  	_ =	shalt  }
0x71: {  	_ =	shalt  }
0x72: {  	_ =	shalt  }
0x73: {  	_ =	shalt  }
0x74: {  	_ =	shalt  }
0x75: {  	_ =	shalt  }
0x76: {  	_ =	shalt  }
0x77: {  	_ =	shalt  }
0x78: {  	_ =	shalt  }
0x79: {  	_ =	shalt  }
0x7a: {  	_ =	shalt  }
0x7b: {  	_ =	shalt  }
0x7c: {  	_ =	shalt  }
0x7d: {  	_ =	shalt  }
0x7e: {  	_ =	shalt  }
0x7f: {  	_ =	shalt  }
0x80: {  	_ =	shalt  }
0x81: {  	_ =	shalt  }
0x82: {  	_ =	shalt  }
0x83: {  	_ =	shalt  }
0x84: {  	_ =	shalt  }
0x85: {  	_ =	shalt  }
0x86: {  	_ =	shalt  }
0x87: {  	_ =	shalt  }
.Lfunc_end0:
.L_simem_size_0:
called_computation_lowered:
.L_overlay_start_0:
0x88: {  	s2 =	sld [smem:$0x3FD9]  }
0x89: {  	s3 =	sld [smem:$0x3FFE];
	_ =	sdelay $0x1  }
0x8a: {  	s1 =	srdreg.scid  }
0x8b: {  	s0 =	sand.u32 $0x1, s1  }
0x8c: {  	s14 =	sshll.u32 s0, $0xA;
	s2 =	sadd.s32 s3, s2  }
0x8d: {  	s2 =	sadd.s32 s2, s14  }
0x8e: {  	[smem:$0x3FC3] =	sst s2  }
0x8f: {  	_ = 	snop  }
0x90: {  	s2 =	sld [smem:$0x3FD0]  }
0x91: {  	s15 =	sld [smem:$0x3FC9]  }
0x92: {  	s4 =	sld [smem:$0x3FC8]  }
0x93: {  	s6 =	simm.s32 $0xA;
	s7 =	simm.s32 $0x10;
	s5 =	sld [smem:$0x3FC7]  }
0x94: {  	[smem:s7], [sflag:s6] =	dma.local [hbm:s2], $0x1  }
0x95: {  	_ =	swait.eq [sflag:s6], $0x1  }
0x96: {  	[sflag:s6] =	ssyncset.done $0x0  }
0x97: {  	s16 =	sld [smem:$0x10];
	[sflag:s6] =	ssyncadd.s32 $0xFFFFFFFF  }
0x98: {  	s17 =	sld [smem:$0x11];
	(tm) =	ssettm $0x1  }
0x99: {  	s18 =	sld [smem:$0x3FFB];
	_ =	sdelay $0x3  }
0x9a: {  	_ =	strace s18  }
0x9b: {  	s7 =	sld [smem:$0x3FFC];
	_ =	sdelay $0x3  }
0x9c: {  	_ =	strace s7  }
0x9d: {  	s7 =	sld [smem:$0x3FFD];
	_ =	sdelay $0x3  }
0x9e: {  	_ =	strace s7  }
0x9f: {  	_ =	strace $0x8FFFFFFF  }
0xa0: {  	s19 =	sld [smem:$0x3FDB];
	_ =	sdelay $0x1  }
0xa1: {  	s8 =	simm.s32 $_scs_section_size  }
0xa2: {  	s9 =	simm.s32 $_size__tile_overlayer_lowered;
	s10 =	simm.s32 $_tile_overlayer_lowered  }
0xa3: {  	s22 =	simm.s32 $0x1BFF;
	s21 =	sshll.u32 s10, $0x1;
	s7 =	sadd.s32 s8, s19  }
0xa4: {  	s11 =	simm.s32 $0x0;
	s20 =	sshll.u32 s9, $0x1;
	s9 =	sadd.s32 s21, s7  }
0xa5: {  	[timem:s11], [sflag:s22] =	dma.local [hbm:s9], s20  }
0xa6: {  	_ =	swait.ge [sflag:s22], s20  }
0xa7: {  	s8 =	ssub.s32 $0x0, s20;
	[sflag:s22] =	ssyncset.done $0x0  }
0xa8: {  	[sflag:s22] =	ssyncadd.s32 s8;
	_ =	sdelay $0x1  }
0xa9: {  	s23 =	simm.s32 $0x1B8B  }
0xaa: {  	_ =	swait.ge [sflag:s23], $0x1  }
0xab: {  	[sflag:s23] =	ssyncset.done $0x0  }
0xac: {  	s25 =	simm.s32 $0x1B8E;
	s24 =	sld [smem:$0x3FFE];
	[sflag:s23] =	ssyncadd.s32 $0xFFFFFFFF  }
0xad: {  	s26 =	simm.s32 $execute0_lowered;
	[smem:$0x3FD2] =	sst s25  }
0xae: {  	s9 =	sshll.u32 s26, $0x1;
	_ =	strace $0x80000046;
	[dreg:$0x1] =	wrdreg $0xFFFFFFFF  }
0xaf: {  	s28 =	simm.s32 $_size_execute0_lowered;
	s7 =	sadd.s32 s7, s9;
	[dreg:$0x0] =	wrdreg $0x0  }
0xb0: {  	s9 =	sshll.u32 s28, $0x1;
	[dreg:$0x2] =	wrdreg s7  }
0xb1: {  	[dreg:$0x3] =	wrdreg s9  }
0xb2: {  	[dreg:$0x4] =	wrdreg $0xC0  }
0xb3: {  	_ =	task [dreg:s11], $0x5FFFF  }
0xb4: {  	[dreg:$0x1] =	wrdreg $0xFFFFFFFF  }
0xb5: {  	[dreg:$0x0] =	wrdreg $0x60  }
0xb6: {  	[dreg:$0x2] =	wrdreg s15  }
0xb7: {  	[dreg:$0x3] =	wrdreg s4  }
0xb8: {  	[dreg:$0x4] =	wrdreg s5  }
0xb9: {  	[dreg:$0x5] =	wrdreg s24  }
0xba: {  	[dreg:$0x6] =	wrdreg s16  }
0xbb: {  	[dreg:$0x7] =	wrdreg s17  }
0xbc: {  	[dreg:$0x8] =	wrdreg $0x9  }
0xbd: {  	_ =	task.clear_ibuf [dreg:s11], $0x9FFFF;
	_ =	strace $0x90000046  }
0xbe: {  	s29 =	simm.s32 $0x9;
	_ =	strace $0x80000048  }
0xbf: {  	_ =	swait.ge [sflag:s29], $0x1  }
0xc0: {  	[sflag:s29] =	ssyncadd.s32 $0xFFFFFFFF  }
0xc1: {  	_ =	strace $0x90000048  }
0xc2: {  	_ =	sfence  }
0xc3: {  	s30 =	sld [smem:$0x0];
	_ =	sdelay $0x2  }
0xc4: {  	s31 =	sshll.u32 s1, $0xD;
	s1 =	sshrl.u32 s1, $0x2  }
0xc5: {  	s3 =	sand.u32 $0x4000, s31;
	s1 =	sadd.s32 s1, s30  }
0xc6: {  	s0 =	sor.u32 s3, s0;
	s1 =	sshll.u32 s1, $0x11  }
0xc7: {  	s0 =	sor.u32 s1, s0  }
0xc8: {  	s0 =	sadd.s32 $0x8F2B, s0  }
0xc9: {  	[sflag:s0] =	ssyncadd.remote.s32 $0x1  }
0xca: {  	_ =	sfence.sel $0xFFFF  }
0xcb: {  	[dreg:$0x0] =	wrdreg $0xFFFFFFFF;
	(pc) =	sbr.abs _section_cstart, $3  }
0xcc: {  	[dreg:$0x1] =	wrdreg $0xFFFFFFFF  }
0xcd: {  	_ =	task.clear_ibuf [dreg:s11], $0x2FFFF;
	_ =	strace $0x9FFFFFFF  }
0xce: {  	(tm) =	ssettm $0x7FFFFFFF  }
0xcf: {  	_ =	shalt  }
tec
execute0_lowered:
.L_overlay_start_1:
0x0: {  	(tag) =	ssettag $0x1  }
0x1: {  	v19 =	vlaneseq.u32;
	v2 =	vimm.s32 $0x1C1B1A19  }
0x2: {  	v4 =	vimm.s32 $0x15141312;
	v5 =	vimm.s32 $0x19181716;
	vm0 =	vcmask $0x1F10  }
0x3: {  	v7 =	vimm.s32 $0x1D1C1B1A;
	v8 =	vimm.s32 $0x16151413;
	v9 =	vimm.s32 $0x1A191817  }
0x4: {  	v10 =	vimm.s32 $0x1E1D1C1B;
	v11 =	vimm.s32 $0x201001F;
	v12 =	vimm.s32 $0x3020100  }
0x5: {  	v13 =	vimm.s32 $0x1F1E1D1C;
	v14 =	vimm.s32 $0x17161514;
	v15 =	vimm.s32 $0x1B1A1918  }
0x6: {  	v18 =	vimm.s32 $0x4030201;
	v62 =	vimm.s32 $0x32107654;
	vm14 =	vcmask $0x2F10  }
0x7: {  	vm15 =	vcmask $0x3F30;
	v63 =	vimm.s32 $0xE0D0C0B;
	v21 =	vmul.u32 $0x20, v19  }
0x8: {  	v27 =	vadd.s32 $0x1, v19;
	v28 =	vadd.s32 $0x2, v19;
	v29 =	vadd.s32 $0x3, v19  }
0x9: {  	v30 =	vadd.s32 $0x4, v19;
	v31 =	vadd.s32 $0x5, v19;
	v0 =	vadd.s32 $0x6, v19  }
0xa: {  	v44 =	vadd.s32 $0xA, v19;
	v20 =	vadd.s32 $0xB, v19;
	v26 =	vadd.s32 $0xC, v19  }
0xb: {  	v39 =	vadd.s32 $0xE, v19;
	v2 =	vunpack.c.0.s8.s32 v2;
	v4 =	vunpack.c.0.s8.s32 v4  }
0xc: {  	v8 =	vunpack.c.0.s8.s32 v8;
	v9 =	vunpack.c.0.s8.s32 v9;
	[tilespmem:$0x1FE00] =	vst v0;
	v0 =	vadd.s32 $0x7, v19  }
0xd: {  	v10 =	vunpack.c.0.s8.s32 v10;
	v11 =	vunpack.c.0.s8.s32 v11;
	[tilespmem:$0x1FE10] =	vst v0;
	v0 =	vadd.s32 $0x8, v19  }
0xe: {  	s0 =	rddreg [dreg:$0x0];
	v12 =	vunpack.c.0.s8.s32 v12;
	v13 =	vunpack.c.0.s8.s32 v13;
	[tilespmem:$0x1FE20] =	vst v0;
	v0 =	vadd.s32 $0x9, v19  }
0xf: {  	s2 =	rddreg [dreg:$0x1];
	v14 =	vunpack.c.0.s8.s32 v14;
	v15 =	vunpack.c.0.s8.s32 v15;
	[tilespmem:$0x1FE30] =	vst v0;
	v0 =	vimm.s32 $0x14131211  }
0x10: {  	s7 =	rddreg [dreg:$0x2];
	v8 =	vsel vm0, v9, v8;
	v1 =	vunpack.c.0.s8.s32 v0;
	v0 =	vimm.s32 $0x18171615  }
0x11: {  	s4 =	rddreg [dreg:$0x3];
	v17 =	vsel vm0, v11, v10;
	v3 =	vunpack.c.0.s8.s32 v0;
	v0 =	vimm.s32 $0x1F1E1D  }
0x12: {  	s8 =	rddreg [dreg:$0x4];
	s1 =	simm.s32 $0x0;
	v12 =	vsel vm0, v12, v13;
	v14 =	vsel vm0, v15, v14;
	v0 =	vunpack.c.0.s8.s32 v0  }
0x13: {  	[smem:$0x7FF] =	sst s1;
	v24 =	vcombine.low v14, v12;
	v12 =	vunpack.c.0.s8.s32 v18;
	v18 =	vcombine.low v8, v17  }
0x14: {  	s9 =	rddreg [dreg:$0x5];
	v5 =	vunpack.c.0.s8.s32 v5;
	_ =	strace $0x80000047;
	[tilespmem:$0x1FE40] =	vst v39;
	v1 =	vsel vm0, v3, v1;
	v6 =	vsel vm0, v0, v2  }
0x15: {  	v25 =	vadd.s32 $0xD, v19;
	v23 =	vadd.s32 $0xF, v19;
	[tilespmem:$0x1FEA0] =	vst v18;
	v22 =	vcombine.low v1, v6  }
0x16: {  	[tilespmem:$0x1FEF0] =	vst v23;
	v1 =	vsel vm0, v5, v4;
	v4 =	vunpack.c.0.s8.s32 v7;
	v7 =	vimm.s32 $0x1001F1E  }
0x17: {  	v14 =	vimm.s32 $0x5040302;
	v8 =	vunpack.c.0.s8.s32 v63;
	[tilespmem:$0x1FF00] =	vst v24;
	v7 =	vunpack.c.0.s8.s32 v7  }
0x18: {  	[tilespmem:$0x1FF10] =	vst v25;
	v2 =	vsel vm0, v2, v3;
	v3 =	vunpack.c.0.s8.s32 v14;
	v61 =	vsel vm0, v12, v0  }
0x19: {  	[tilespmem:$0x1FF20] =	vst v26;
	v14 =	vimm.s32 $0x6050403;
	v35 =	vcombine.low v2, v61;
	v16 =	vsel vm0, v7, v4  }
0x1a: {  	[tilespmem:$0x1FF30] =	vst v20;
	v3 =	vsel vm0, v3, v7;
	v4 =	vsel vm0, v4, v5;
	v32 =	vcombine.low v1, v16  }
0x1b: {  	[tilespmem:$0x1FF40] =	vst v44;
	v1 =	vunpack.c.0.s8.s32 v14;
	v34 =	vcombine.low v4, v3;
	v3 =	vimm.s32 $0x76543210  }
0x1c: {  	[tilespmem:$0x1FFA0] =	vst v21;
	v2 =	vsel vm0, v10, v9;
	v4 =	vimm.s32 $0x87654321;
	v3 =	vunpack.c.l.s4.s8 v3  }
0x1d: {  	[tilespmem:$0x1FFB0] =	vst v27;
	v5 =	vimm.s32 $0x98765432;
	v4 =	vunpack.c.l.s4.s8 v4;
	v1 =	vsel vm0, v1, v11  }
0x1e: {  	[tilespmem:$0x1FFC0] =	vst v28;
	v45 =	vcombine.low v2, v1;
	v2 =	vunpack.c.l.s4.s8 v5;
	v3 =	vunpack.c.0.s8.s32 v3  }
0x1f: {  	[tilespmem:$0x1FFD0] =	vst v29;
	v1 =	vsel vm0, v13, v15;
	v4 =	vunpack.c.0.s8.s32 v4;
	v5 =	vimm.s32 $0xA9876543  }
0x20: {  	[tilespmem:$0x1FFE0] =	vst v30;
	v5 =	vunpack.c.l.s4.s8 v5;
	v2 =	vunpack.c.0.s8.s32 v2;
	v15 =	vcombine.low v1, v3  }
0x21: {  	[tilespmem:$0x1FFF0] =	vst v31;
	v1 =	vand.u32 $0xF, v4;
	v3 =	vunpack.c.l.s4.s8 v62;
	v4 =	vimm.s32 $0x54329876  }
0x22: {  	[tilespmem:$0x1FEB0] =	vst v35;
	v41 =	vcombine.low v6, v1;
	v4 =	vunpack.c.l.s4.s8 v4;
	v6 =	vimm.s32 $0xB0A0908  }
0x23: {  	[tilespmem:$0x1FEE0] =	vst v22;
	v1 =	vand.u32 $0xF, v2;
	v2 =	vunpack.c.0.s8.s32 v5;
	v5 =	vimm.s32 $0x6543A987  }
0x24: {  	s3 =	srdreg.scid;
	s6 =	stileid.u32;
	s12 =	simm.s32 $0x200;
	[tilespmem:$0x1FE90] =	vst v34;
	v6 =	vunpack.c.0.s8.s32 v6;
	v36 =	vcombine.low v16, v1;
	v1 =	vunpack.c.0.s8.s32 v3  }
0x25: {  	s13 =	simm.s32 $0x400;
	s14 =	simm.s32 $0x600;
	s15 =	simm.s32 $0x4600;
	[tilespmem:$0x1FEC0] =	vst v32;
	v3 =	vimm.s32 $0x43218765;
	v5 =	vunpack.c.l.s4.s8 v5;
	v4 =	vunpack.c.0.s8.s32 v4  }
0x26: {  	s16 =	simm.s32 $0x8600;
	s21 =	simm.s32 $0x80;
	s28 =	simm.s32 $0x500;
	[tilespmem:$0x1FE60] =	vst v45;
	v16 =	vor.u32 $0x10, v19;
	v2 =	vand.u32 $0xF, v2;
	v3 =	vunpack.c.l.s4.s8 v3  }
0x27: {  	s29 =	simm.s32 $0xA600;
	s30 =	simm.s32 $0x180;
	s31 =	simm.s32 $0x3600;
	[tilespmem:$0x1FE70] =	vst v15;
	v1 =	vand.u32 $0xF, v1;
	v5 =	vunpack.c.0.s8.s32 v5;
	v4 =	vand.u32 $0xF, v4  }
0x28: {  	s17 =	simm.s32 $0x580;
	s18 =	simm.s32 $0xB600;
	s19 =	simm.s32 $0x1;
	[tilespmem:$0x1FE50] =	vst v41;
	v2 =	vcombine.low v17, v2;
	v3 =	vunpack.c.0.s8.s32 v3;
	v1 =	vsel vm14, v1, v13  }
0x29: {  	s20 =	simm.s32 $0xC600;
	s22 =	simm.s32 $0xC800;
	s3 =	sand.u32 $0x1, s3;
	[tilespmem:$0x1FED0] =	vst v16;
	v4 =	vsel vm14, v4, v7;
	v7 =	vimm.s32 $0xD0C0B0A;
	v5 =	vand.u32 $0xF, v5  }
0x2a: {  	s23 =	simm.s32 $0x0;
	s6 =	sshll.u32 s6, $0x7;
	s5 =	ssub.s32 $0x2, s3;
	[tilespmem:$0x1FE80] =	vst v36;
	v7 =	vunpack.c.0.s8.s32 v7;
	v1 =	vsel vm15, v6, v1;
	v3 =	vand.u32 $0xF, v3  }
0x2b: {  	s10 =	sshll.u32 s3, $0x6;
	s3 =	sadd.s32 $0xF42C00, s4;
	s11 =	sshrl.u32 s5, $0x1;
	[tilespmem:$0x1FF70] =	vst v2;
	v5 =	vsel vm14, v5, v11;
	v0 =	vsel vm14, v3, v0;
	v3 =	vimm.s32 $0xC0B0A09  }
0x2c: {  	s4 =	sadd.s32 $0x1313600, s4;
	s10 =	sor.u32 s10, s6;
	s11 =	ssub.s32 s5, s11;
	[tilespmem:$0x1FF80] =	vst v1;
	v5 =	vsel vm15, v8, v5;
	v3 =	vunpack.c.0.s8.s32 v3  }
0x2d: {  	s5 =	sadd.s32 s0, s10;
	s6 =	sadd.s32 s2, s10;
	s7 =	sadd.s32 s7, s10;
	v4 =	vsel vm15, v7, v4;
	[tilespmem:$0x1FF50] =	vst v5  }
0x2e: {  	s8 =	sadd.s32 s8, s10;
	s9 =	sadd.s32 s9, s10;
	s0 =	simm.s32 $0x380;
	[tilespmem:$0x1FF90] =	vst v4;
	v3 =	vsel vm15, v3, v0  }
0x2f: {  	s2 =	simm.s32 $0x7600;
	s10 =	smax.u32 s11, $0x1;
	s11 =	simm.s32 $0x2;
	[tilespmem:$0x1FF60] =	vst v3  }
.LBB2_1:
0x30: {  	[tilespmem:s1], [sflag:$0x2] =	stream.linear.gather [hbm4b:s5+s1], $0x200, $0x38;
	[tilespmem:$0xCA00] =	vst v63  }
0x31: {  	_ =	swait.ge [sflag:s11], $0x200  }
0x32: {  	[sflag:s11] =	ssyncset.done $0x0  }
0x33: {  	[sflag:s11] =	ssyncadd.s32 $0xFFFFFE00  }
0x34: {  	[tilespmem:s12], [sflag:$0x2] =	stream.linear.gather [hbm4b:s6+s1], $0x200, $0x38;
	[tilespmem:$0xCA00] =	vst v63  }
0x35: {  	_ =	swait.ge [sflag:s11], $0x200  }
0x36: {  	[sflag:s11] =	ssyncset.done $0x0  }
0x37: {  	[sflag:s11] =	ssyncadd.s32 $0xFFFFFE00  }
0x38: {  	[tilespmem:s13], [sflag:$0x2] =	stream.linear.gather [hbm4b:s7+s1], $0x200, $0x38;
	[tilespmem:$0xCA00] =	vst v63  }
0x39: {  	_ =	swait.ge [sflag:s11], $0x200  }
0x3a: {  	[sflag:s11] =	ssyncset.done $0x0  }
0x3b: {  	[sflag:s11] =	ssyncadd.s32 $0xFFFFFE00  }
0x3c: {  	[tilespmem:s14], [sflag:$0x1] =	stream.indirect.gather [hbm4b:s3+s21], $0x20, s1, s21, $0xb8;
	[tilespmem:$0xCA00] =	vst v63  }
0x3d: {  	_ = 	snop  }
0x3e: {  	[tilespmem:s15], [sflag:$0x1] =	stream.indirect.gather [hbm4b:s4+s21], $0x20, s12, s21, $0xb8;
	[tilespmem:$0xCA00] =	vst v63  }
0x3f: {  	_ = 	snop  }
0x40: {  	[tilespmem:s16], [sflag:$0x1] =	stream.indirect.gather [hbm4b:s4+s21], $0x20, s13, s21, $0xb8;
	[tilespmem:$0xCA00] =	vst v63  }
0x41: {  	s24 =	simm.s32 $0x1600  }
0x42: {  	[tilespmem:s24], [sflag:$0x1] =	stream.indirect.gather [hbm4b:s3+s21], $0x20, s21, s21, $0xb8;
	[tilespmem:$0xCA00] =	vst v63  }
0x43: {  	s26 =	simm.s32 $0x280;
	s25 =	simm.s32 $0x5600  }
0x44: {  	[tilespmem:s25], [sflag:$0x1] =	stream.indirect.gather [hbm4b:s4+s21], $0x20, s26, s21, $0xb8;
	[tilespmem:$0xCA00] =	vst v63  }
0x45: {  	s25 =	simm.s32 $0x480;
	s26 =	simm.s32 $0x9600  }
0x46: {  	[tilespmem:s26], [sflag:$0x1] =	stream.indirect.gather [hbm4b:s4+s21], $0x20, s25, s21, $0xb8;
	[tilespmem:$0xCA00] =	vst v63  }
0x47: {  	s25 =	simm.s32 $0x2600;
	s26 =	simm.s32 $0x100  }
0x48: {  	[tilespmem:s25], [sflag:$0x1] =	stream.indirect.gather [hbm4b:s3+s21], $0x20, s26, s21, $0xb8;
	[tilespmem:$0xCA00] =	vst v63  }
0x49: {  	s25 =	simm.s32 $0x300;
	s26 =	simm.s32 $0x6600  }
0x4a: {  	[tilespmem:s26], [sflag:$0x1] =	stream.indirect.gather [hbm4b:s4+s21], $0x20, s25, s21, $0xb8;
	[tilespmem:$0xCA00] =	vst v63  }
0x4b: {  	_ = 	snop  }
0x4c: {  	[tilespmem:s29], [sflag:$0x1] =	stream.indirect.gather [hbm4b:s4+s21], $0x20, s28, s21, $0xb8;
	[tilespmem:$0xCA00] =	vst v63  }
0x4d: {  	_ = 	snop  }
0x4e: {  	[tilespmem:s31], [sflag:$0x1] =	stream.indirect.gather [hbm4b:s3+s21], $0x20, s30, s21, $0xb8;
	[tilespmem:$0xCA00] =	vst v63  }
0x4f: {  	_ = 	snop  }
0x50: {  	[tilespmem:s2], [sflag:$0x1] =	stream.indirect.gather [hbm4b:s4+s21], $0x20, s0, s21, $0xb8;
	[tilespmem:$0xCA00] =	vst v63  }
0x51: {  	_ = 	snop  }
0x52: {  	[tilespmem:s18], [sflag:$0x1] =	stream.indirect.gather [hbm4b:s4+s21], $0x20, s17, s21, $0xb8;
	[tilespmem:$0xCA00] =	vst v63  }
0x53: {  	_ =	swait.ge [sflag:s19], $0x1000  }
0x54: {  	[sflag:s19] =	ssyncset.done $0x0  }
0x55: {  	[sflag:s19] =	ssyncadd.s32 $0xFFFFF000  }
0x56: {  	_ =	swait.ge [sflag:s19], $0x1000  }
0x57: {  	[sflag:s19] =	ssyncset.done $0x0  }
0x58: {  	[sflag:s19] =	ssyncadd.s32 $0xFFFFF000  }
0x59: {  	_ =	swait.ge [sflag:s19], $0x1000  }
0x5a: {  	[sflag:s19] =	ssyncset.done $0x0  }
0x5b: {  	[sflag:s19] =	ssyncadd.s32 $0xFFFFF000  }
0x5c: {  	_ =	swait.ge [sflag:s19], $0x1000  }
0x5d: {  	[sflag:s19] =	ssyncset.done $0x0  }
0x5e: {  	[sflag:s19] =	ssyncadd.s32 $0xFFFFF000  }
0x5f: {  	_ =	swait.ge [sflag:s19], $0x1000  }
0x60: {  	[sflag:s19] =	ssyncset.done $0x0  }
0x61: {  	[sflag:s19] =	ssyncadd.s32 $0xFFFFF000  }
0x62: {  	_ =	swait.ge [sflag:s19], $0x1000  }
0x63: {  	[sflag:s19] =	ssyncset.done $0x0  }
0x64: {  	[sflag:s19] =	ssyncadd.s32 $0xFFFFF000  }
0x65: {  	_ =	swait.ge [sflag:s19], $0x1000  }
0x66: {  	[sflag:s19] =	ssyncset.done $0x0  }
0x67: {  	[sflag:s19] =	ssyncadd.s32 $0xFFFFF000  }
0x68: {  	_ =	swait.ge [sflag:s19], $0x1000  }
0x69: {  	[sflag:s19] =	ssyncset.done $0x0  }
0x6a: {  	[sflag:s19] =	ssyncadd.s32 $0xFFFFF000  }
0x6b: {  	_ =	swait.ge [sflag:s19], $0x1000  }
0x6c: {  	[sflag:s19] =	ssyncset.done $0x0  }
0x6d: {  	[sflag:s19] =	ssyncadd.s32 $0xFFFFF000  }
0x6e: {  	v0 =	vmov s1;
	_ =	swait.ge [sflag:s19], $0x1000  }
0x6f: {  	v0 =	vshll.u32 v0, $0x5;
	[sflag:s19] =	ssyncset.done $0x0  }
0x70: {  	[sflag:s19] =	ssyncadd.s32 $0xFFFFF000  }
0x71: {  	v21 =	vor.u32 v21, v0;
	_ =	swait.ge [sflag:s19], $0x1000  }
0x72: {  	v0 =	vmov v29;
	v29 =	vor.u32 v5, v21;
	[sflag:s19] =	ssyncset.done $0x0  }
0x73: {  	[sflag:s19] =	ssyncadd.s32 $0xFFFFF000  }
0x74: {  	_ =	swait.ge [sflag:s19], $0x1000  }
0x75: {  	[sflag:s19] =	ssyncset.done $0x0  }
0x76: {  	[sflag:s19] =	ssyncadd.s32 $0xFFFFF000  }
0x77: {  	v12 =	vor.u32 v4, v21;
	v6 =	vld.idx.msk [tilespmem:v29+s15+$0x0], $0xffff;
	_ =	sdelay $0x3  }
0x78: {  	v13 =	vor.u32 v15, v21  }
0x79: {  	v10 =	vor.u32 v3, v21;
	[tilespmem:$0x1FDB0] =	vst v6;
	v6 =	vld.idx.msk [tilespmem:v12+s15+$0x0], $0xffff;
	_ =	sdelay $0x3  }
0x7a: {  	v8 =	vor.u32 v1, v21;
	v14 =	vor.u32 v45, v21;
	v1 =	vld.idx.msk [tilespmem:v13+s15+$0x0], $0xffff  }
0x7b: {  	[tilespmem:$0x1FDA0] =	vst v6;
	v6 =	vld.idx.msk [tilespmem:v10+s15+$0x0], $0xffff;
	_ =	sdelay $0x3  }
0x7c: {  	v15 =	vor.u32 v34, v21;
	[tilespmem:$0x1FD40] =	vst v1;
	v1 =	vld.idx.msk [tilespmem:v14+s15+$0x0], $0xffff  }
0x7d: {  	v9 =	vor.u32 v2, v21;
	[tilespmem:$0x1FD90] =	vst v6;
	v6 =	vld.idx.msk [tilespmem:v8+s15+$0x0], $0xffff  }
0x7e: {  	v42 =	vor.u32 v22, v21;
	v22 =	vor.u32 v16, v21;
	v16 =	vld [tilespmem:$0x1FE30]  }
0x7f: {  	v33 =	vor.u32 v41, v21;
	v17 =	vld [tilespmem:$0x1FE20]  }
0x80: {  	v11 =	vor.u32 v36, v21;
	v36 =	vmovc v23;
	v23 =	vor.u32 v23, v21;
	v53 =	vor.u32 v27, v21;
	v27 =	vld [tilespmem:$0x1FE10]  }
0x81: {  	v37 =	vor.u32 v35, v21;
	[tilespmem:$0x1FD30] =	vst v1;
	v1 =	vld.idx.msk [tilespmem:v15+s15+$0x0], $0xffff  }
0x82: {  	[tilespmem:$0x1FD80] =	vst v6;
	v6 =	vld.idx.msk [tilespmem:v9+s15+$0x0], $0xffff  }
0x83: {  	v38 =	vor.u32 v24, v21;
	v24 =	vor.u32 v39, v21;
	v51 =	vor.u32 v28, v21;
	v28 =	vld [tilespmem:$0x1FE00]  }
0x84: {  	v34 =	vmov v25;
	v25 =	vor.u32 v25, v21;
	v2 =	vld.idx.msk [tilespmem:v33+s15+$0x0], $0xffff  }
0x85: {  	v7 =	vmov v30;
	v30 =	vmov v26;
	v26 =	vor.u32 v26, v21;
	v19 =	vld.idx.msk [tilespmem:v23+s15+$0x0], $0xffff  }
0x86: {  	v43 =	vor.u32 v20, v21;
	[tilespmem:$0x1FD20] =	vst v1;
	v1 =	vld.idx.msk [tilespmem:v37+s15+$0x0], $0xffff  }
0x87: {  	[tilespmem:$0x1FD70] =	vst v6;
	v6 =	vld.idx.msk [tilespmem:v11+s15+$0x0], $0xffff  }
0x88: {  	v40 =	vor.u32 v32, v21;
	v32 =	vmov v44;
	v44 =	vor.u32 v44, v21;
	v46 =	vld.idx.msk [tilespmem:v24+s15+$0x0], $0xffff  }
0x89: {  	v47 =	vor.u32 v7, v21;
	v48 =	vld.idx.msk [tilespmem:v25+s15+$0x0], $0xffff  }
0x8a: {  	v49 =	vor.u32 v0, v21;
	v50 =	vld.idx.msk [tilespmem:v26+s15+$0x0], $0xffff  }
0x8b: {  	v52 =	vld.idx.msk [tilespmem:v43+s15+$0x0], $0xffff;
	[tilespmem:$0x1FD10] =	vst v1  }
0x8c: {  	v1 =	vld.idx.msk [tilespmem:v38+s15+$0x0], $0xffff;
	[tilespmem:$0x1FD60] =	vst v6;
	v6 =	vmov v31;
	v31 =	vmov v18;
	v18 =	vor.u32 v18, v21  }
0x8d: {  	v0 =	vlaneseq.u32;
	v54 =	vld.idx.msk [tilespmem:v44+s15+$0x0], $0xffff  }
0x8e: {  	v55 =	vor.u32 v0, v21;
	v56 =	vld.idx.msk [tilespmem:v47+s15+$0x0], $0xffff  }
0x8f: {  	v57 =	vld.idx.msk [tilespmem:v49+s15+$0x0], $0xffff  }
0x90: {  	v58 =	vld.idx.msk [tilespmem:v51+s15+$0x0], $0xffff  }
0x91: {  	[tilespmem:$0x1FD00] =	vst v1;
	v1 =	vld.idx.msk [tilespmem:v18+s15+$0x0], $0xffff  }
0x92: {  	v59 =	vld.idx.msk [tilespmem:v53+s15+$0x0], $0xffff  }
0x93: {  	v60 =	vld.idx.msk [tilespmem:v55+s15+$0x0], $0xffff  }
0x94: {  	v61 =	vld.idx.msk [tilespmem:v55+s14+$0x0], $0xffff  }
0x95: {  	v55 =	vld.idx.msk [tilespmem:v55+s16+$0x0], $0xffff  }
0x96: {  	[tilespmem:$0x1FCF0] =	vst v1;
	v1 =	vld.idx.msk [tilespmem:v40+s15+$0x0], $0xffff  }
0x97: {  	v62 =	vld.idx.msk [tilespmem:v53+s14+$0x0], $0xffff  }
0x98: {  	v53 =	vld.idx.msk [tilespmem:v53+s16+$0x0], $0xffff  }
0x99: {  	v63 =	vld.idx.msk [tilespmem:v51+s14+$0x0], $0xffff  }
0x9a: {  	v51 =	vld.idx.msk [tilespmem:v51+s16+$0x0], $0xffff  }
0x9b: {  	[tilespmem:$0x1FCE0] =	vst v1;
	v1 =	vld.idx.msk [tilespmem:v42+s15+$0x0], $0xffff  }
0x9c: {  	v39 =	vmov v5;
	v3 =	vld.idx.msk [tilespmem:v49+s14+$0x0], $0xffff;
	v5 =	vor.u32 v16, v21  }
0x9d: {  	v49 =	vld.idx.msk [tilespmem:v49+s16+$0x0], $0xffff;
	v0 =	vor.u32 v28, v21  }
0x9e: {  	v35 =	vmov v4;
	v4 =	vld.idx.msk [tilespmem:v47+s14+$0x0], $0xffff  }
0x9f: {  	v47 =	vld.idx.msk [tilespmem:v47+s16+$0x0], $0xffff;
	[tilespmem:$0x1FD50] =	vst v2  }
0xa0: {  	v2 =	vor.u32 v17, v21;
	[tilespmem:$0x1FCD0] =	vst v1;
	v1 =	vor.u32 v27, v21;
	v21 =	vor.u32 v6, v21  }
0xa1: {  	v60 =	vmul.f32 v60, v61;
	v55 =	vmul.f32 v55, v61;
	v7 =	vld.idx.msk [tilespmem:v5+s15+$0x0], $0xffff  }
0xa2: {  	v59 =	vmul.f32 v59, v62;
	v53 =	vmul.f32 v53, v62;
	v62 =	vld.idx.msk [tilespmem:v0+s15+$0x0], $0xffff  }
0xa3: {  	v57 =	vmul.f32 v57, v3;
	v3 =	vmul.f32 v49, v3;
	v60 =	vadd.f32 $0.0e+00, v60;
	v49 =	vld.idx.msk [tilespmem:v0+s14+$0x0], $0xffff  }
0xa4: {  	v55 =	vadd.f32 $0.0e+00, v55;
	v0 =	vld.idx.msk [tilespmem:v0+s16+$0x0], $0xffff  }
0xa5: {  	v58 =	vmul.f32 v58, v63;
	v59 =	vadd.f32 v59, v60;
	v60 =	vld.idx.msk [tilespmem:v21+s15+$0x0], $0xffff  }
0xa6: {  	v51 =	vmul.f32 v51, v63;
	v53 =	vadd.f32 v53, v55;
	v55 =	vld.idx.msk [tilespmem:v21+s14+$0x0], $0xffff  }
0xa7: {  	v58 =	vadd.f32 v58, v59;
	v21 =	vld.idx.msk [tilespmem:v21+s16+$0x0], $0xffff  }
0xa8: {  	v61 =	vld.idx.msk [tilespmem:v2+s15+$0x0], $0xffff;
	v51 =	vadd.f32 v51, v53  }
0xa9: {  	v56 =	vmul.f32 v56, v4;
	v53 =	vadd.f32 v57, v58;
	v6 =	vld.idx.msk [tilespmem:v1+s15+$0x0], $0xffff  }
0xaa: {  	v4 =	vmul.f32 v47, v4;
	v3 =	vadd.f32 v3, v51;
	v63 =	vld.idx.msk [tilespmem:v1+s14+$0x0], $0xffff  }
0xab: {  	v56 =	vadd.f32 v56, v53;
	v1 =	vld.idx.msk [tilespmem:v1+s16+$0x0], $0xffff;
	v57 =	vmul.f32 v60, v55  }
0xac: {  	v3 =	vadd.f32 v4, v3;
	v4 =	vmul.f32 v21, v55;
	v21 =	vld.idx.msk [tilespmem:v2+s14+$0x0], $0xffff  }
0xad: {  	v58 =	vmul.f32 v62, v49;
	v2 =	vld.idx.msk [tilespmem:v2+s16+$0x0], $0xffff;
	v51 =	vadd.f32 v57, v56  }
0xae: {  	v0 =	vmul.f32 v0, v49;
	v3 =	vadd.f32 v4, v3;
	v4 =	vld.idx.msk [tilespmem:v5+s14+$0x0], $0xffff  }
0xaf: {  	v6 =	vmul.f32 v6, v63;
	v5 =	vld.idx.msk [tilespmem:v5+s16+$0x0], $0xffff;
	v59 =	vadd.f32 v58, v51  }
0xb0: {  	v60 =	vld.idx.msk [tilespmem:v44+s14+$0x0], $0xffff;
	v1 =	vmul.f32 v1, v63;
	v0 =	vadd.f32 v0, v3  }
0xb1: {  	v3 =	vld.idx.msk [tilespmem:v44+s16+$0x0], $0xffff;
	v62 =	vmul.f32 v61, v21;
	v6 =	vadd.f32 v6, v59  }
0xb2: {  	v63 =	vld.idx.msk [tilespmem:v43+s14+$0x0], $0xffff;
	v0 =	vadd.f32 v1, v0;
	v1 =	vmul.f32 v2, v21  }
0xb3: {  	v2 =	vld.idx.msk [tilespmem:v43+s16+$0x0], $0xffff;
	v7 =	vmul.f32 v7, v4;
	v6 =	vadd.f32 v62, v6  }
0xb4: {  	v21 =	vld.idx.msk [tilespmem:v26+s14+$0x0], $0xffff;
	v0 =	vadd.f32 v1, v0;
	v1 =	vmul.f32 v5, v4  }
0xb5: {  	v4 =	vld.idx.msk [tilespmem:v26+s16+$0x0], $0xffff;
	v5 =	vadd.f32 v7, v6;
	v6 =	vmul.f32 v54, v60  }
0xb6: {  	v7 =	vld.idx.msk [tilespmem:v25+s14+$0x0], $0xffff;
	v0 =	vadd.f32 v1, v0;
	v1 =	vmul.f32 v3, v60  }
0xb7: {  	v3 =	vld.idx.msk [tilespmem:v25+s16+$0x0], $0xffff;
	v5 =	vadd.f32 v6, v5;
	v6 =	vmul.f32 v52, v63  }
0xb8: {  	v25 =	vld.idx.msk [tilespmem:v24+s14+$0x0], $0xffff;
	v0 =	vadd.f32 v1, v0  }
0xb9: {  	v1 =	vmul.f32 v2, v63;
	v2 =	vld.idx.msk [tilespmem:v24+s16+$0x0], $0xffff;
	v5 =	vadd.f32 v6, v5;
	v6 =	vmul.f32 v50, v21  }
0xba: {  	v24 =	vld.idx.msk [tilespmem:v23+s14+$0x0], $0xffff  }
0xbb: {  	v20 =	vld.idx.msk [tilespmem:v22+s15+$0x0], $0xffff;
	v5 =	vadd.f32 v6, v5;
	v6 =	vmul.f32 v48, v7  }
0xbc: {  	v0 =	vadd.f32 v1, v0;
	v1 =	vmul.f32 v4, v21;
	v21 =	vld.idx.msk [tilespmem:v22+s14+$0x0], $0xffff  }
0xbd: {  	v5 =	vadd.f32 v6, v5;
	v6 =	vmul.f32 v46, v25;
	_ =	sdelay $0x1  }
0xbe: {  	v5 =	vadd.f32 v6, v5;
	v6 =	vmul.f32 v19, v24;
	_ =	sdelay $0x1  }
0xbf: {  	v5 =	vadd.f32 v6, v5;
	v6 =	vmul.f32 v20, v21  }
0xc0: {  	v0 =	vadd.f32 v1, v0;
	v1 =	vmul.f32 v3, v7;
	v7 =	vld.idx.msk [tilespmem:v42+s14+$0x0], $0xffff  }
0xc1: {  	v5 =	vadd.f32 v6, v5;
	v6 =	vld [tilespmem:$0x1FCD0];
	_ =	sdelay $0x4  }
0xc2: {  	v3 =	vld.idx.msk [tilespmem:v22+s16+$0x0], $0xffff;
	v6 =	vmul.f32 v6, v7  }
0xc3: {  	v22 =	vld.idx.msk [tilespmem:v40+s14+$0x0], $0xffff  }
0xc4: {  	v5 =	vadd.f32 v6, v5;
	v6 =	vld [tilespmem:$0x1FCE0];
	_ =	sdelay $0x4  }
0xc5: {  	v4 =	vld.idx.msk [tilespmem:v23+s16+$0x0], $0xffff;
	v6 =	vmul.f32 v6, v22  }
0xc6: {  	v20 =	vld.idx.msk [tilespmem:v18+s14+$0x0], $0xffff  }
0xc7: {  	v5 =	vadd.f32 v6, v5;
	v6 =	vld [tilespmem:$0x1FCF0]  }
0xc8: {  	v0 =	vadd.f32 v1, v0;
	v1 =	vmul.f32 v2, v25;
	_ =	sdelay $0x1  }
0xc9: {  	v0 =	vadd.f32 v1, v0;
	v1 =	vmul.f32 v4, v24;
	_ =	sdelay $0x1  }
0xca: {  	v0 =	vadd.f32 v1, v0;
	v1 =	vmul.f32 v3, v21;
	v3 =	vld.idx.msk [tilespmem:v18+s16+$0x0], $0xffff;
	v6 =	vmul.f32 v6, v20  }
0xcb: {  	v18 =	vld.idx.msk [tilespmem:v38+s14+$0x0], $0xffff  }
0xcc: {  	v5 =	vadd.f32 v6, v5;
	v6 =	vld [tilespmem:$0x1FD00]  }
0xcd: {  	v2 =	vld.idx.msk [tilespmem:v42+s16+$0x0], $0xffff;
	_ =	sdelay $0x3  }
0xce: {  	v6 =	vmul.f32 v6, v18  }
0xcf: {  	v0 =	vadd.f32 v1, v0;
	v1 =	vmul.f32 v2, v7;
	v7 =	vld.idx.msk [tilespmem:v37+s14+$0x0], $0xffff  }
0xd0: {  	v5 =	vadd.f32 v6, v5;
	v6 =	vld [tilespmem:$0x1FD10];
	_ =	sdelay $0x4  }
0xd1: {  	v4 =	vld.idx.msk [tilespmem:v40+s16+$0x0], $0xffff;
	v6 =	vmul.f32 v6, v7  }
0xd2: {  	v19 =	vld.idx.msk [tilespmem:v15+s14+$0x0], $0xffff  }
0xd3: {  	v5 =	vadd.f32 v6, v5;
	v6 =	vld [tilespmem:$0x1FD20];
	_ =	sdelay $0x2  }
0xd4: {  	v0 =	vadd.f32 v1, v0;
	v1 =	vmul.f32 v4, v22  }
0xd5: {  	v2 =	vld.idx.msk [tilespmem:v38+s16+$0x0], $0xffff  }
0xd6: {  	v0 =	vadd.f32 v1, v0;
	v1 =	vmul.f32 v3, v20;
	v3 =	vld.idx.msk [tilespmem:v15+s16+$0x0], $0xffff;
	v6 =	vmul.f32 v6, v19  }
0xd7: {  	v15 =	vld.idx.msk [tilespmem:v14+s14+$0x0], $0xffff  }
0xd8: {  	v5 =	vadd.f32 v6, v5;
	v6 =	vld [tilespmem:$0x1FD30];
	_ =	sdelay $0x4  }
0xd9: {  	v0 =	vadd.f32 v1, v0;
	v1 =	vmul.f32 v2, v18;
	v2 =	vld.idx.msk [tilespmem:v14+s16+$0x0], $0xffff;
	v6 =	vmul.f32 v6, v15  }
0xda: {  	v14 =	vld.idx.msk [tilespmem:v13+s14+$0x0], $0xffff  }
0xdb: {  	v5 =	vadd.f32 v6, v5;
	v6 =	vld [tilespmem:$0x1FD40]  }
0xdc: {  	v4 =	vld.idx.msk [tilespmem:v37+s16+$0x0], $0xffff;
	_ =	sdelay $0x3  }
0xdd: {  	v6 =	vmul.f32 v6, v14  }
0xde: {  	v0 =	vadd.f32 v1, v0;
	v1 =	vmul.f32 v4, v7;
	v7 =	vld.idx.msk [tilespmem:v33+s14+$0x0], $0xffff  }
0xdf: {  	v5 =	vadd.f32 v6, v5;
	v6 =	vld [tilespmem:$0x1FD50];
	_ =	sdelay $0x4  }
0xe0: {  	v4 =	vld.idx.msk [tilespmem:v13+s16+$0x0], $0xffff;
	v6 =	vmul.f32 v6, v7  }
0xe1: {  	v13 =	vld.idx.msk [tilespmem:v11+s14+$0x0], $0xffff  }
0xe2: {  	v5 =	vadd.f32 v6, v5;
	v6 =	vld [tilespmem:$0x1FD60];
	_ =	sdelay $0x2  }
0xe3: {  	v0 =	vadd.f32 v1, v0;
	v1 =	vmul.f32 v3, v19;
	_ =	sdelay $0x1  }
0xe4: {  	v0 =	vadd.f32 v1, v0;
	v1 =	vmul.f32 v2, v15;
	v2 =	vld.idx.msk [tilespmem:v11+s16+$0x0], $0xffff;
	v6 =	vmul.f32 v6, v13  }
0xe5: {  	v11 =	vld.idx.msk [tilespmem:v9+s14+$0x0], $0xffff  }
0xe6: {  	v5 =	vadd.f32 v6, v5;
	v6 =	vld [tilespmem:$0x1FD70];
	_ =	sdelay $0x2  }
0xe7: {  	v3 =	vld.idx.msk [tilespmem:v33+s16+$0x0], $0xffff;
	_ =	sdelay $0x1  }
0xe8: {  	v0 =	vadd.f32 v1, v0;
	v1 =	vmul.f32 v4, v14;
	v4 =	vld.idx.msk [tilespmem:v9+s16+$0x0], $0xffff;
	v6 =	vmul.f32 v6, v11  }
0xe9: {  	v9 =	vld.idx.msk [tilespmem:v8+s14+$0x0], $0xffff  }
0xea: {  	v5 =	vadd.f32 v6, v5;
	v6 =	vld [tilespmem:$0x1FD80]  }
0xeb: {  	v0 =	vadd.f32 v1, v0;
	v1 =	vmul.f32 v3, v7  }
0xec: {  	v3 =	vld.idx.msk [tilespmem:v8+s16+$0x0], $0xffff  }
0xed: {  	v0 =	vadd.f32 v1, v0;
	v1 =	vmul.f32 v2, v13;
	v2 =	vld.idx.msk [tilespmem:v10+s16+$0x0], $0xffff  }
0xee: {  	v7 =	vld.idx.msk [tilespmem:v10+s14+$0x0], $0xffff  }
0xef: {  	v8 =	vld.idx.msk [tilespmem:v12+s14+$0x0], $0xffff;
	v0 =	vadd.f32 v1, v0;
	v1 =	vmul.f32 v4, v11;
	v6 =	vmul.f32 v6, v9  }
0xf0: {  	v4 =	vld.idx.msk [tilespmem:v12+s16+$0x0], $0xffff  }
0xf1: {  	v0 =	vadd.f32 v1, v0;
	v1 =	vmul.f32 v3, v9;
	v5 =	vadd.f32 v6, v5;
	v6 =	vld [tilespmem:$0x1FD90];
	_ =	sdelay $0x1  }
0xf2: {  	v0 =	vadd.f32 v1, v0;
	v1 =	vmul.f32 v2, v7;
	_ =	sdelay $0x1  }
0xf3: {  	v0 =	vadd.f32 v1, v0;
	v1 =	vmul.f32 v4, v8;
	v4 =	vld [tilespmem:$0x1FFA0]  }
0xf4: {  	v6 =	vmul.f32 v6, v7  }
0xf5: {  	s26 =	simm.s32 $0x10  }
0xf6: {  	v2 =	vmov s26;
	v5 =	vadd.f32 v6, v5;
	v6 =	vld [tilespmem:$0x1FDA0]  }
0xf7: {  	v10 =	vld.idx.msk [tilespmem:v29+s14+$0x0], $0xffff;
	v2 =	vshll.u32 v2, $0x5  }
0xf8: {  	v15 =	vor.u32 v4, v2;
	v4 =	vld [tilespmem:$0x1FDB0]  }
0xf9: {  	v3 =	vld.idx.msk [tilespmem:v29+s16+$0x0], $0xffff;
	_ =	sdelay $0x1  }
0xfa: {  	v6 =	vmul.f32 v6, v8;
	_ =	sdelay $0x1  }
0xfb: {  	v4 =	vmul.f32 v4, v10;
	v2 =	vadd.f32 v6, v5  }
0xfc: {  	v0 =	vadd.f32 v1, v0;
	v1 =	vmul.f32 v3, v10  }
0xfd: {  	v2 =	vadd.f32 v4, v2  }
0xfe: {  	v0 =	vadd.f32 v1, v0  }
0xff: {  	[tilespmem:s20+$0x0] =	vst v2  }
0x100: {  	v33 =	vor.u32 v39, v15;
	[tilespmem:s22+$0x0] =	vst v0;
	v0 =	vld [tilespmem:$0x1FE80];
	_ =	sdelay $0x4  }
0x101: {  	v35 =	vor.u32 v35, v15;
	v44 =	vor.u32 v0, v15;
	v0 =	vld.idx.msk [tilespmem:v33+s15+$0x0], $0xffff;
	_ =	sdelay $0x3  }
0x102: {  	v3 =	vld [tilespmem:$0x1FF60]  }
0x103: {  	[tilespmem:$0x1FDC0] =	vst v0;
	v0 =	vld.idx.msk [tilespmem:v35+s15+$0x0], $0xffff;
	_ =	sdelay $0x3  }
0x104: {  	v1 =	vld [tilespmem:$0x1FF80]  }
0x105: {  	v38 =	vor.u32 v3, v15;
	[tilespmem:$0x1FDD0] =	vst v0;
	v0 =	vld [tilespmem:$0x1FE70];
	_ =	sdelay $0x4  }
0x106: {  	v40 =	vor.u32 v1, v15;
	v48 =	vor.u32 v0, v15;
	v0 =	vld.idx.msk [tilespmem:v38+s15+$0x0], $0xffff;
	_ =	sdelay $0x4  }
0x107: {  	[tilespmem:$0x1FDE0] =	vst v0;
	v0 =	vld.idx.msk [tilespmem:v40+s15+$0x0], $0xffff;
	_ =	sdelay $0x2  }
0x108: {  	v20 =	vld [tilespmem:$0x1FFD0]  }
0x109: {  	v1 =	vld [tilespmem:$0x1FF70]  }
0x10a: {  	[tilespmem:$0x1FDF0] =	vst v0;
	v0 =	vld [tilespmem:$0x1FE90];
	_ =	sdelay $0x1  }
0x10b: {  	v18 =	vld [tilespmem:$0x1FFF0]  }
0x10c: {  	v24 =	vor.u32 v20, v15;
	v20 =	vld [tilespmem:$0x1FFC0]  }
0x10d: {  	v42 =	vor.u32 v1, v15;
	v1 =	vld [tilespmem:$0x1FE40]  }
0x10e: {  	v52 =	vor.u32 v0, v15;
	v0 =	vld [tilespmem:$0x1FEB0];
	_ =	sdelay $0x1  }
0x10f: {  	v46 =	vor.u32 v41, v15;
	v22 =	vor.u32 v18, v15;
	v18 =	vld [tilespmem:$0x1FFE0]  }
0x110: {  	v50 =	vor.u32 v45, v15;
	v25 =	vor.u32 v20, v15;
	v20 =	vld [tilespmem:$0x1FFB0]  }
0x111: {  	v58 =	vor.u32 v31, v15;
	v4 =	vor.u32 v1, v15;
	v1 =	vld [tilespmem:$0x1FF30]  }
0x112: {  	v54 =	vor.u32 v0, v15;
	v0 =	vld [tilespmem:$0x1FF00]  }
0x113: {  	v6 =	vor.u32 v34, v15;
	v41 =	vld.idx.msk [tilespmem:v42+s15+$0x0], $0xffff  }
0x114: {  	v8 =	vor.u32 v30, v15;
	v45 =	vld.idx.msk [tilespmem:v46+s15+$0x0], $0xffff  }
0x115: {  	v12 =	vor.u32 v32, v15;
	v49 =	vld.idx.msk [tilespmem:v50+s15+$0x0], $0xffff  }
0x116: {  	v14 =	vor.u32 v16, v15;
	v57 =	vld.idx.msk [tilespmem:v58+s15+$0x0], $0xffff  }
0x117: {  	v56 =	vor.u32 v0, v15;
	v0 =	vld [tilespmem:$0x1FEC0]  }
0x118: {  	v17 =	vor.u32 v17, v15;
	v5 =	vld.idx.msk [tilespmem:v6+s15+$0x0], $0xffff  }
0x119: {  	v19 =	vor.u32 v27, v15;
	v7 =	vld.idx.msk [tilespmem:v8+s15+$0x0], $0xffff  }
0x11a: {  	v21 =	vor.u32 v28, v15;
	v11 =	vld.idx.msk [tilespmem:v12+s15+$0x0], $0xffff  }
0x11b: {  	v13 =	vld.idx.msk [tilespmem:v14+s15+$0x0], $0xffff  }
0x11c: {  	v60 =	vor.u32 v0, v15;
	v0 =	vld [tilespmem:$0x1FEE0]  }
0x11d: {  	v2 =	vor.u32 v36, v15;
	v16 =	vld.idx.msk [tilespmem:v17+s15+$0x0], $0xffff  }
0x11e: {  	v23 =	vor.u32 v18, v15;
	v18 =	vld.idx.msk [tilespmem:v19+s15+$0x0], $0xffff;
	v10 =	vor.u32 v1, v15  }
0x11f: {  	v26 =	vor.u32 v20, v15;
	v20 =	vld.idx.msk [tilespmem:v21+s15+$0x0], $0xffff  }
0x120: {  	v3 =	vld.idx.msk [tilespmem:v4+s15+$0x0], $0xffff  }
0x121: {  	v62 =	vor.u32 v0, v15;
	v0 =	vld [tilespmem:$0x1FED0]  }
0x122: {  	v1 =	vld.idx.msk [tilespmem:v2+s15+$0x0], $0xffff  }
0x123: {  	v9 =	vld.idx.msk [tilespmem:v10+s15+$0x0], $0xffff  }
0x124: {  	v43 =	vld.idx.msk [tilespmem:v44+s15+$0x0], $0xffff  }
0x125: {  	v47 =	vld.idx.msk [tilespmem:v48+s15+$0x0], $0xffff  }
0x126: {  	v51 =	vld.idx.msk [tilespmem:v52+s15+$0x0], $0xffff;
	v0 =	vor.u32 v0, v15  }
0x127: {  	v53 =	vld.idx.msk [tilespmem:v54+s15+$0x0], $0xffff  }
0x128: {  	v55 =	vld.idx.msk [tilespmem:v56+s15+$0x0], $0xffff  }
0x129: {  	v59 =	vld.idx.msk [tilespmem:v60+s15+$0x0], $0xffff  }
0x12a: {  	v61 =	vld.idx.msk [tilespmem:v62+s15+$0x0], $0xffff  }
0x12b: {  	s24 =	simm.s32 $0xC800;
	s25 =	simm.s32 $0xC600;
	s26 =	simm.s32 $0x20;
	v63 =	vld.idx.msk [tilespmem:v0+s15+$0x0], $0xffff  }
.LBB2_2:
0x12c: {  	v27 =	vlaneseq.u32  }
0x12d: {  	v28 =	vld.idx.msk [tilespmem:v23+s15+$0x0], $0xffff;
	v15 =	vor.u32 v27, v15  }
0x12e: {  	v29 =	vld.idx.msk [tilespmem:v24+s15+$0x0], $0xffff  }
0x12f: {  	v30 =	vld.idx.msk [tilespmem:v25+s15+$0x0], $0xffff  }
0x130: {  	v31 =	vld.idx.msk [tilespmem:v26+s15+$0x0], $0xffff  }
0x131: {  	v36 =	vld.idx.msk [tilespmem:v26+s14+$0x0], $0xffff  }
0x132: {  	v32 =	vld.idx.msk [tilespmem:v15+s15+$0x0], $0xffff  }
0x133: {  	v34 =	vld.idx.msk [tilespmem:v15+s14+$0x0], $0xffff  }
0x134: {  	v26 =	vld.idx.msk [tilespmem:v26+s16+$0x0], $0xffff  }
0x135: {  	v15 =	vld.idx.msk [tilespmem:v15+s16+$0x0], $0xffff  }
0x136: {  	v37 =	vld.idx.msk [tilespmem:v25+s14+$0x0], $0xffff  }
0x137: {  	v25 =	vld.idx.msk [tilespmem:v25+s16+$0x0], $0xffff  }
0x138: {  	v39 =	vld.idx.msk [tilespmem:v24+s14+$0x0], $0xffff;
	v32 =	vmul.f32 v32, v34  }
0x139: {  	v24 =	vld.idx.msk [tilespmem:v24+s16+$0x0], $0xffff  }
0x13a: {  	v27 =	vld.idx.msk [tilespmem:v22+s15+$0x0], $0xffff;
	v31 =	vmul.f32 v31, v36;
	v15 =	vmul.f32 v15, v34;
	v32 =	vadd.f32 $0.0e+00, v32  }
0x13b: {  	v26 =	vmul.f32 v26, v36;
	v34 =	vld.idx.msk [tilespmem:v23+s14+$0x0], $0xffff  }
0x13c: {  	v30 =	vmul.f32 v30, v37;
	v23 =	vld.idx.msk [tilespmem:v23+s16+$0x0], $0xffff;
	v15 =	vadd.f32 $0.0e+00, v15;
	v31 =	vadd.f32 v31, v32  }
0x13d: {  	v25 =	vmul.f32 v25, v37;
	v32 =	vld.idx.msk [tilespmem:v22+s14+$0x0], $0xffff  }
0x13e: {  	v29 =	vmul.f32 v29, v39;
	v15 =	vadd.f32 v26, v15;
	v26 =	vadd.f32 v30, v31  }
0x13f: {  	v24 =	vmul.f32 v24, v39;
	v30 =	vld.idx.msk [tilespmem:v21+s14+$0x0], $0xffff  }
0x140: {  	v22 =	vld.idx.msk [tilespmem:v22+s16+$0x0], $0xffff;
	v15 =	vadd.f32 v25, v15;
	v25 =	vadd.f32 v29, v26;
	v26 =	vmul.f32 v28, v34  }
0x141: {  	v37 =	vld.idx.msk [tilespmem:v19+s14+$0x0], $0xffff;
	v23 =	vmul.f32 v23, v34  }
0x142: {  	v21 =	vld.idx.msk [tilespmem:v21+s16+$0x0], $0xffff;
	v15 =	vadd.f32 v24, v15;
	v24 =	vadd.f32 v26, v25;
	v25 =	vmul.f32 v27, v32  }
0x143: {  	v26 =	vld.idx.msk [tilespmem:v17+s14+$0x0], $0xffff  }
0x144: {  	v19 =	vld.idx.msk [tilespmem:v19+s16+$0x0], $0xffff;
	v15 =	vadd.f32 v23, v15;
	v20 =	vmul.f32 v20, v30;
	v23 =	vadd.f32 v25, v24  }
0x145: {  	v22 =	vmul.f32 v22, v32;
	v24 =	vld.idx.msk [tilespmem:v14+s14+$0x0], $0xffff  }
0x146: {  	v18 =	vmul.f32 v18, v37;
	v17 =	vld.idx.msk [tilespmem:v17+s16+$0x0], $0xffff;
	v20 =	vadd.f32 v20, v23  }
0x147: {  	v21 =	vmul.f32 v21, v30;
	v15 =	vadd.f32 v22, v15;
	v22 =	vld.idx.msk [tilespmem:v12+s14+$0x0], $0xffff  }
0x148: {  	v14 =	vld.idx.msk [tilespmem:v14+s16+$0x0], $0xffff;
	v16 =	vmul.f32 v16, v26;
	v18 =	vadd.f32 v18, v20  }
0x149: {  	v19 =	vmul.f32 v19, v37;
	v15 =	vadd.f32 v21, v15;
	v20 =	vld.idx.msk [tilespmem:v10+s14+$0x0], $0xffff  }
0x14a: {  	v12 =	vld.idx.msk [tilespmem:v12+s16+$0x0], $0xffff;
	v13 =	vmul.f32 v13, v24;
	v16 =	vadd.f32 v16, v18  }
0x14b: {  	v17 =	vmul.f32 v17, v26;
	v15 =	vadd.f32 v19, v15;
	v18 =	vld.idx.msk [tilespmem:v8+s14+$0x0], $0xffff  }
0x14c: {  	v10 =	vld.idx.msk [tilespmem:v10+s16+$0x0], $0xffff;
	v11 =	vmul.f32 v11, v22;
	v13 =	vadd.f32 v13, v16  }
0x14d: {  	v14 =	vmul.f32 v14, v24;
	v15 =	vadd.f32 v17, v15;
	v16 =	vld.idx.msk [tilespmem:v6+s14+$0x0], $0xffff  }
0x14e: {  	v8 =	vld.idx.msk [tilespmem:v8+s16+$0x0], $0xffff;
	v9 =	vmul.f32 v9, v20;
	v11 =	vadd.f32 v11, v13  }
0x14f: {  	v12 =	vmul.f32 v12, v22;
	v14 =	vadd.f32 v14, v15;
	v13 =	vld.idx.msk [tilespmem:v4+s14+$0x0], $0xffff  }
0x150: {  	v6 =	vld.idx.msk [tilespmem:v6+s16+$0x0], $0xffff;
	v7 =	vmul.f32 v7, v18;
	v9 =	vadd.f32 v9, v11  }
0x151: {  	v10 =	vmul.f32 v10, v20;
	v12 =	vadd.f32 v12, v14;
	v11 =	vld.idx.msk [tilespmem:v2+s14+$0x0], $0xffff  }
0x152: {  	v4 =	vld.idx.msk [tilespmem:v4+s16+$0x0], $0xffff;
	v5 =	vmul.f32 v5, v16;
	v7 =	vadd.f32 v7, v9  }
0x153: {  	v8 =	vmul.f32 v8, v18;
	v10 =	vadd.f32 v10, v12;
	v9 =	vld.idx.msk [tilespmem:v0+s14+$0x0], $0xffff  }
0x154: {  	v2 =	vld.idx.msk [tilespmem:v2+s16+$0x0], $0xffff;
	v3 =	vmul.f32 v3, v13;
	v5 =	vadd.f32 v5, v7  }
0x155: {  	v6 =	vmul.f32 v6, v16;
	v8 =	vadd.f32 v8, v10;
	v7 =	vld.idx.msk [tilespmem:v62+s14+$0x0], $0xffff  }
0x156: {  	v0 =	vld.idx.msk [tilespmem:v0+s16+$0x0], $0xffff;
	v1 =	vmul.f32 v1, v11;
	v3 =	vadd.f32 v3, v5  }
0x157: {  	v4 =	vmul.f32 v4, v13;
	v6 =	vadd.f32 v6, v8;
	v5 =	vld.idx.msk [tilespmem:v60+s14+$0x0], $0xffff  }
0x158: {  	v8 =	vld.idx.msk [tilespmem:v62+s16+$0x0], $0xffff;
	v1 =	vadd.f32 v1, v3;
	v3 =	vmul.f32 v63, v9  }
0x159: {  	v10 =	vld.idx.msk [tilespmem:v58+s14+$0x0], $0xffff;
	v2 =	vmul.f32 v2, v11;
	v4 =	vadd.f32 v4, v6  }
0x15a: {  	v6 =	vld.idx.msk [tilespmem:v60+s16+$0x0], $0xffff;
	v1 =	vadd.f32 v3, v1;
	v3 =	vmul.f32 v61, v7  }
0x15b: {  	v0 =	vmul.f32 v0, v9;
	v2 =	vadd.f32 v2, v4;
	v9 =	vld.idx.msk [tilespmem:v56+s14+$0x0], $0xffff  }
0x15c: {  	v4 =	vld.idx.msk [tilespmem:v58+s16+$0x0], $0xffff;
	v1 =	vadd.f32 v3, v1;
	v3 =	vmul.f32 v59, v5  }
0x15d: {  	v0 =	vadd.f32 v0, v2;
	v2 =	vmul.f32 v8, v7;
	v8 =	vld.idx.msk [tilespmem:v54+s14+$0x0], $0xffff  }
0x15e: {  	v7 =	vld.idx.msk [tilespmem:v56+s16+$0x0], $0xffff;
	v1 =	vadd.f32 v3, v1;
	v3 =	vmul.f32 v57, v10  }
0x15f: {  	v0 =	vadd.f32 v2, v0;
	v2 =	vmul.f32 v6, v5;
	v6 =	vld.idx.msk [tilespmem:v52+s14+$0x0], $0xffff  }
0x160: {  	v5 =	vld.idx.msk [tilespmem:v54+s16+$0x0], $0xffff;
	v1 =	vadd.f32 v3, v1;
	v3 =	vmul.f32 v55, v9  }
0x161: {  	v0 =	vadd.f32 v2, v0;
	v2 =	vmul.f32 v4, v10;
	v10 =	vld.idx.msk [tilespmem:v50+s14+$0x0], $0xffff  }
0x162: {  	v4 =	vld.idx.msk [tilespmem:v52+s16+$0x0], $0xffff;
	v1 =	vadd.f32 v3, v1;
	v3 =	vmul.f32 v53, v8  }
0x163: {  	v0 =	vadd.f32 v2, v0;
	v2 =	vmul.f32 v7, v9;
	v9 =	vld.idx.msk [tilespmem:v48+s14+$0x0], $0xffff  }
0x164: {  	v7 =	vld.idx.msk [tilespmem:v50+s16+$0x0], $0xffff;
	v1 =	vadd.f32 v3, v1;
	v3 =	vmul.f32 v51, v6  }
0x165: {  	v0 =	vadd.f32 v2, v0;
	v2 =	vmul.f32 v5, v8;
	v8 =	vld.idx.msk [tilespmem:v46+s14+$0x0], $0xffff  }
0x166: {  	v1 =	vadd.f32 v3, v1;
	v3 =	vmul.f32 v49, v10  }
0x167: {  	v0 =	vadd.f32 v2, v0;
	v2 =	vmul.f32 v4, v6;
	v6 =	vld.idx.msk [tilespmem:v44+s14+$0x0], $0xffff  }
0x168: {  	v1 =	vadd.f32 v3, v1;
	v3 =	vmul.f32 v47, v9  }
0x169: {  	v0 =	vadd.f32 v2, v0;
	v2 =	vmul.f32 v7, v10;
	v10 =	vld.idx.msk [tilespmem:v42+s14+$0x0], $0xffff  }
0x16a: {  	v5 =	vld.idx.msk [tilespmem:v48+s16+$0x0], $0xffff;
	v1 =	vadd.f32 v3, v1;
	v3 =	vmul.f32 v45, v8;
	_ =	sdelay $0x1  }
0x16b: {  	v1 =	vadd.f32 v3, v1;
	v3 =	vmul.f32 v43, v6;
	_ =	sdelay $0x1  }
0x16c: {  	v1 =	vadd.f32 v3, v1;
	v3 =	vmul.f32 v41, v10  }
0x16d: {  	v0 =	vadd.f32 v2, v0;
	v2 =	vmul.f32 v5, v9;
	v9 =	vld.idx.msk [tilespmem:v40+s14+$0x0], $0xffff  }
0x16e: {  	v1 =	vadd.f32 v3, v1;
	v3 =	vld [tilespmem:$0x1FDF0]  }
0x16f: {  	v4 =	vld.idx.msk [tilespmem:v46+s16+$0x0], $0xffff;
	_ =	sdelay $0x3  }
0x170: {  	v7 =	vld.idx.msk [tilespmem:v44+s16+$0x0], $0xffff;
	v3 =	vmul.f32 v3, v9  }
0x171: {  	v0 =	vadd.f32 v2, v0;
	v2 =	vmul.f32 v4, v8;
	v8 =	vld.idx.msk [tilespmem:v38+s14+$0x0], $0xffff  }
0x172: {  	v1 =	vadd.f32 v3, v1;
	v3 =	vld [tilespmem:$0x1FDE0];
	_ =	sdelay $0x1  }
0x173: {  	v5 =	vld.idx.msk [tilespmem:v42+s16+$0x0], $0xffff;
	_ =	sdelay $0x1  }
0x174: {  	v4 =	vld.idx.msk [tilespmem:v40+s16+$0x0], $0xffff  }
0x175: {  	v0 =	vadd.f32 v2, v0;
	v2 =	vmul.f32 v7, v6;
	v6 =	vld.idx.msk [tilespmem:v38+s16+$0x0], $0xffff;
	v3 =	vmul.f32 v3, v8  }
0x176: {  	v7 =	vld.idx.msk [tilespmem:v35+s14+$0x0], $0xffff  }
0x177: {  	v0 =	vadd.f32 v2, v0;
	v2 =	vmul.f32 v5, v10;
	v1 =	vadd.f32 v3, v1;
	v3 =	vld [tilespmem:$0x1FDD0]  }
0x178: {  	v5 =	vld.idx.msk [tilespmem:v35+s16+$0x0], $0xffff  }
0x179: {  	v0 =	vadd.f32 v2, v0;
	v2 =	vmul.f32 v4, v9;
	_ =	sdelay $0x1  }
0x17a: {  	v0 =	vadd.f32 v2, v0;
	v2 =	vmul.f32 v6, v8  }
0x17b: {  	v10 =	vld.idx.msk [tilespmem:v33+s14+$0x0], $0xffff;
	v3 =	vmul.f32 v3, v7  }
0x17c: {  	v0 =	vadd.f32 v2, v0;
	v2 =	vmul.f32 v5, v7;
	v5 =	vld [tilespmem:$0x1FFA0]  }
0x17d: {  	v1 =	vadd.f32 v3, v1;
	v3 =	vld [tilespmem:$0x1FDC0]  }
0x17e: {  	v4 =	vld.idx.msk [tilespmem:v33+s16+$0x0], $0xffff;
	_ =	sdelay $0x1  }
0x17f: {  	v6 =	vmov s26  }
0x180: {  	v6 =	vshll.u32 v6, $0x5  }
0x181: {  	v15 =	vor.u32 v5, v6;
	v5 =	vld [tilespmem:$0x1FF50];
	v3 =	vmul.f32 v3, v10  }
0x182: {  	v0 =	vadd.f32 v2, v0;
	v2 =	vmul.f32 v4, v10  }
0x183: {  	v1 =	vadd.f32 v3, v1  }
0x184: {  	s25 =	sadd.s32 $0x10, s25;
	v0 =	vadd.f32 v2, v0  }
0x185: {  	s24 =	sadd.s32 $0x10, s24;
	[tilespmem:s25+$0x0] =	vst v1  }
0x186: {  	v33 =	vor.u32 v5, v15;
	[tilespmem:s24+$0x0] =	vst v0;
	v0 =	vld [tilespmem:$0x1FE80];
	_ =	sdelay $0x3  }
0x187: {  	v4 =	vld [tilespmem:$0x1FF90]  }
0x188: {  	v44 =	vor.u32 v0, v15;
	v0 =	vld.idx.msk [tilespmem:v33+s15+$0x0], $0xffff;
	_ =	sdelay $0x4  }
0x189: {  	v35 =	vor.u32 v4, v15;
	[tilespmem:$0x1FDC0] =	vst v0;
	v0 =	vld [tilespmem:$0x1FE50];
	_ =	sdelay $0x3  }
0x18a: {  	v3 =	vld [tilespmem:$0x1FF60]  }
0x18b: {  	v46 =	vor.u32 v0, v15;
	v0 =	vld.idx.msk [tilespmem:v35+s15+$0x0], $0xffff;
	_ =	sdelay $0x4  }
0x18c: {  	v38 =	vor.u32 v3, v15;
	[tilespmem:$0x1FDD0] =	vst v0;
	v0 =	vld [tilespmem:$0x1FE70];
	_ =	sdelay $0x3  }
0x18d: {  	v2 =	vld [tilespmem:$0x1FF80]  }
0x18e: {  	v48 =	vor.u32 v0, v15;
	v0 =	vld.idx.msk [tilespmem:v38+s15+$0x0], $0xffff;
	_ =	sdelay $0x4  }
0x18f: {  	v40 =	vor.u32 v2, v15;
	[tilespmem:$0x1FDE0] =	vst v0;
	v0 =	vld [tilespmem:$0x1FE60];
	_ =	sdelay $0x4  }
0x190: {  	v50 =	vor.u32 v0, v15;
	v0 =	vld.idx.msk [tilespmem:v40+s15+$0x0], $0xffff  }
0x191: {  	v39 =	vld [tilespmem:$0x1FE40]  }
0x192: {  	v1 =	vld [tilespmem:$0x1FF70]  }
0x193: {  	v20 =	vld [tilespmem:$0x1FFB0]  }
0x194: {  	v18 =	vld [tilespmem:$0x1FFC0]  }
0x195: {  	[tilespmem:$0x1FDF0] =	vst v0;
	v0 =	vld [tilespmem:$0x1FE90]  }
0x196: {  	v5 =	vld [tilespmem:$0x1FE20]  }
0x197: {  	v42 =	vor.u32 v1, v15;
	v1 =	vld [tilespmem:$0x1FEF0]  }
0x198: {  	v16 =	vld [tilespmem:$0x1FFD0]  }
0x199: {  	v7 =	vld [tilespmem:$0x1FE10]  }
0x19a: {  	v52 =	vor.u32 v0, v15;
	v0 =	vld [tilespmem:$0x1FEB0]  }
0x19b: {  	v9 =	vld [tilespmem:$0x1FE00];
	v17 =	vor.u32 v5, v15  }
0x19c: {  	v2 =	vor.u32 v1, v15;
	v1 =	vld [tilespmem:$0x1FF10]  }
0x19d: {  	v13 =	vld [tilespmem:$0x1FFE0]  }
0x19e: {  	v11 =	vld [tilespmem:$0x1FFF0];
	v19 =	vor.u32 v7, v15  }
0x19f: {  	v54 =	vor.u32 v0, v15;
	v0 =	vld [tilespmem:$0x1FF00]  }
0x1a0: {  	v21 =	vor.u32 v9, v15;
	v24 =	vor.u32 v16, v15;
	v16 =	vld.idx.msk [tilespmem:v17+s15+$0x0], $0xffff  }
0x1a1: {  	v6 =	vor.u32 v1, v15;
	v1 =	vld [tilespmem:$0x1FF20]  }
0x1a2: {  	v4 =	vor.u32 v39, v15;
	v3 =	vld [tilespmem:$0x1FE30]  }
0x1a3: {  	v25 =	vor.u32 v18, v15;
	v18 =	vld.idx.msk [tilespmem:v19+s15+$0x0], $0xffff  }
0x1a4: {  	v56 =	vor.u32 v0, v15;
	v0 =	vld [tilespmem:$0x1FEA0]  }
0x1a5: {  	v26 =	vor.u32 v20, v15;
	v20 =	vld.idx.msk [tilespmem:v21+s15+$0x0], $0xffff  }
0x1a6: {  	v8 =	vor.u32 v1, v15;
	v1 =	vld [tilespmem:$0x1FF30]  }
0x1a7: {  	v14 =	vor.u32 v3, v15;
	v3 =	vld.idx.msk [tilespmem:v4+s15+$0x0], $0xffff  }
0x1a8: {  	v41 =	vld.idx.msk [tilespmem:v42+s15+$0x0], $0xffff  }
0x1a9: {  	v58 =	vor.u32 v0, v15;
	v0 =	vld [tilespmem:$0x1FEC0]  }
0x1aa: {  	v43 =	vld.idx.msk [tilespmem:v44+s15+$0x0], $0xffff  }
0x1ab: {  	v10 =	vor.u32 v1, v15;
	v1 =	vld [tilespmem:$0x1FF40]  }
0x1ac: {  	v23 =	vor.u32 v13, v15;
	v13 =	vld.idx.msk [tilespmem:v14+s15+$0x0], $0xffff  }
0x1ad: {  	v5 =	vld.idx.msk [tilespmem:v6+s15+$0x0], $0xffff  }
0x1ae: {  	v60 =	vor.u32 v0, v15;
	v0 =	vld [tilespmem:$0x1FEE0]  }
0x1af: {  	v45 =	vld.idx.msk [tilespmem:v46+s15+$0x0], $0xffff  }
0x1b0: {  	v7 =	vld.idx.msk [tilespmem:v8+s15+$0x0], $0xffff;
	v12 =	vor.u32 v1, v15  }
0x1b1: {  	v1 =	vld.idx.msk [tilespmem:v2+s15+$0x0], $0xffff  }
0x1b2: {  	v9 =	vld.idx.msk [tilespmem:v10+s15+$0x0], $0xffff  }
0x1b3: {  	v62 =	vor.u32 v0, v15;
	v0 =	vld [tilespmem:$0x1FED0]  }
0x1b4: {  	v47 =	vld.idx.msk [tilespmem:v48+s15+$0x0], $0xffff  }
0x1b5: {  	v22 =	vor.u32 v11, v15;
	v11 =	vld.idx.msk [tilespmem:v12+s15+$0x0], $0xffff  }
0x1b6: {  	v49 =	vld.idx.msk [tilespmem:v50+s15+$0x0], $0xffff  }
0x1b7: {  	v51 =	vld.idx.msk [tilespmem:v52+s15+$0x0], $0xffff  }
0x1b8: {  	p0 =	sne.s32 s26, $0x1F0;
	v53 =	vld.idx.msk [tilespmem:v54+s15+$0x0], $0xffff;
	v0 =	vor.u32 v0, v15  }
.Ltmp0:
0x1b9: {  	v55 =	vld.idx.msk [tilespmem:v56+s15+$0x0], $0xffff;
	(pc) =	sbr.rel @p0 .LBB2_2-.Ltmp0, $4  }
0x1ba: {  	v57 =	vld.idx.msk [tilespmem:v58+s15+$0x0], $0xffff  }
0x1bb: {  	v59 =	vld.idx.msk [tilespmem:v60+s15+$0x0], $0xffff  }
0x1bc: {  	v61 =	vld.idx.msk [tilespmem:v62+s15+$0x0], $0xffff  }
0x1bd: {  	s26 =	sadd.s32 $0x10, s26;
	v63 =	vld.idx.msk [tilespmem:v0+s15+$0x0], $0xffff  }
0x1be: {  	_ =	sdelay $0x3  }
0x1bf: {  	v27 =	vlaneseq.u32;
	v28 =	vld.idx.msk [tilespmem:v26+s15+$0x0], $0xffff  }
0x1c0: {  	v31 =	vld.idx.msk [tilespmem:v26+s14+$0x0], $0xffff;
	v15 =	vor.u32 v27, v15  }
0x1c1: {  	v26 =	vld.idx.msk [tilespmem:v26+s16+$0x0], $0xffff  }
0x1c2: {  	v32 =	vld.idx.msk [tilespmem:v25+s14+$0x0], $0xffff  }
0x1c3: {  	v27 =	vld.idx.msk [tilespmem:v25+s15+$0x0], $0xffff  }
0x1c4: {  	v25 =	vld.idx.msk [tilespmem:v25+s16+$0x0], $0xffff  }
0x1c5: {  	v29 =	vld.idx.msk [tilespmem:v15+s15+$0x0], $0xffff  }
0x1c6: {  	v30 =	vld.idx.msk [tilespmem:v15+s14+$0x0], $0xffff  }
0x1c7: {  	v15 =	vld.idx.msk [tilespmem:v15+s16+$0x0], $0xffff  }
0x1c8: {  	v34 =	vld.idx.msk [tilespmem:v24+s15+$0x0], $0xffff  }
0x1c9: {  	v36 =	vld.idx.msk [tilespmem:v24+s14+$0x0], $0xffff  }
0x1ca: {  	v24 =	vld.idx.msk [tilespmem:v24+s16+$0x0], $0xffff  }
0x1cb: {  	v37 =	vld.idx.msk [tilespmem:v23+s14+$0x0], $0xffff;
	v27 =	vmul.f32 v27, v32;
	v29 =	vmul.f32 v29, v30  }
0x1cc: {  	v25 =	vmul.f32 v25, v32;
	v32 =	vld.idx.msk [tilespmem:v10+s16+$0x0], $0xffff;
	v15 =	vmul.f32 v15, v30  }
0x1cd: {  	v28 =	vmul.f32 v28, v31;
	v30 =	vld.idx.msk [tilespmem:v23+s15+$0x0], $0xffff;
	v29 =	vadd.f32 $0.0e+00, v29  }
0x1ce: {  	v26 =	vmul.f32 v26, v31;
	v23 =	vld.idx.msk [tilespmem:v23+s16+$0x0], $0xffff;
	v15 =	vadd.f32 $0.0e+00, v15  }
0x1cf: {  	v28 =	vadd.f32 v28, v29;
	v29 =	vld.idx.msk [tilespmem:v22+s15+$0x0], $0xffff  }
0x1d0: {  	v15 =	vadd.f32 v26, v15;
	v26 =	vld.idx.msk [tilespmem:v22+s14+$0x0], $0xffff  }
0x1d1: {  	v22 =	vld.idx.msk [tilespmem:v22+s16+$0x0], $0xffff  }
0x1d2: {  	v27 =	vadd.f32 v27, v28;
	v28 =	vmul.f32 v34, v36;
	v15 =	vadd.f32 v25, v15;
	v25 =	vld.idx.msk [tilespmem:v21+s14+$0x0], $0xffff  }
0x1d3: {  	v24 =	vmul.f32 v24, v36;
	v21 =	vld.idx.msk [tilespmem:v21+s16+$0x0], $0xffff  }
0x1d4: {  	v34 =	vld.idx.msk [tilespmem:v8+s16+$0x0], $0xffff;
	v27 =	vadd.f32 v28, v27;
	v28 =	vmul.f32 v30, v37  }
0x1d5: {  	v23 =	vmul.f32 v23, v37;
	v15 =	vadd.f32 v24, v15;
	v24 =	vld.idx.msk [tilespmem:v19+s14+$0x0], $0xffff  }
0x1d6: {  	v19 =	vld.idx.msk [tilespmem:v19+s16+$0x0], $0xffff;
	v27 =	vadd.f32 v28, v27;
	v28 =	vmul.f32 v29, v26  }
0x1d7: {  	v22 =	vmul.f32 v22, v26;
	v15 =	vadd.f32 v23, v15;
	v23 =	vld.idx.msk [tilespmem:v17+s14+$0x0], $0xffff  }
0x1d8: {  	v17 =	vld.idx.msk [tilespmem:v17+s16+$0x0], $0xffff;
	v20 =	vmul.f32 v20, v25;
	v26 =	vadd.f32 v28, v27  }
0x1d9: {  	v21 =	vmul.f32 v21, v25;
	v15 =	vadd.f32 v22, v15;
	v22 =	vld.idx.msk [tilespmem:v14+s14+$0x0], $0xffff  }
0x1da: {  	v14 =	vld.idx.msk [tilespmem:v14+s16+$0x0], $0xffff;
	v18 =	vmul.f32 v18, v24;
	v20 =	vadd.f32 v20, v26  }
0x1db: {  	v19 =	vmul.f32 v19, v24;
	v15 =	vadd.f32 v21, v15;
	v21 =	vld.idx.msk [tilespmem:v12+s14+$0x0], $0xffff  }
0x1dc: {  	v12 =	vld.idx.msk [tilespmem:v12+s16+$0x0], $0xffff;
	v16 =	vmul.f32 v16, v23;
	v18 =	vadd.f32 v18, v20  }
0x1dd: {  	v17 =	vmul.f32 v17, v23;
	v15 =	vadd.f32 v19, v15;
	v19 =	vld.idx.msk [tilespmem:v10+s14+$0x0], $0xffff  }
0x1de: {  	v36 =	vld.idx.msk [tilespmem:v2+s14+$0x0], $0xffff;
	v13 =	vmul.f32 v13, v22;
	v16 =	vadd.f32 v16, v18  }
0x1df: {  	v14 =	vmul.f32 v14, v22;
	v15 =	vadd.f32 v17, v15;
	v17 =	vld.idx.msk [tilespmem:v8+s14+$0x0], $0xffff  }
0x1e0: {  	v2 =	vld.idx.msk [tilespmem:v2+s16+$0x0], $0xffff;
	v11 =	vmul.f32 v11, v21;
	v13 =	vadd.f32 v13, v16  }
0x1e1: {  	v12 =	vmul.f32 v12, v21;
	v14 =	vadd.f32 v14, v15;
	v15 =	vld.idx.msk [tilespmem:v6+s14+$0x0], $0xffff  }
0x1e2: {  	v6 =	vld.idx.msk [tilespmem:v6+s16+$0x0], $0xffff;
	v9 =	vmul.f32 v9, v19;
	v11 =	vadd.f32 v11, v13  }
0x1e3: {  	v10 =	vmul.f32 v32, v19;
	v12 =	vadd.f32 v12, v14;
	v13 =	vld.idx.msk [tilespmem:v4+s14+$0x0], $0xffff  }
0x1e4: {  	v4 =	vld.idx.msk [tilespmem:v4+s16+$0x0], $0xffff;
	v7 =	vmul.f32 v7, v17;
	v9 =	vadd.f32 v9, v11  }
0x1e5: {  	v8 =	vmul.f32 v34, v17;
	v10 =	vadd.f32 v10, v12  }
0x1e6: {  	v37 =	vld.idx.msk [tilespmem:v0+s14+$0x0], $0xffff;
	v5 =	vmul.f32 v5, v15;
	v7 =	vadd.f32 v7, v9  }
0x1e7: {  	v0 =	vld.idx.msk [tilespmem:v0+s16+$0x0], $0xffff;
	v1 =	vmul.f32 v1, v36;
	v6 =	vmul.f32 v6, v15;
	v8 =	vadd.f32 v8, v10  }
0x1e8: {  	v2 =	vmul.f32 v2, v36;
	v36 =	vld.idx.msk [tilespmem:v52+s16+$0x0], $0xffff;
	v3 =	vmul.f32 v3, v13;
	v5 =	vadd.f32 v5, v7  }
0x1e9: {  	v4 =	vmul.f32 v4, v13;
	v6 =	vadd.f32 v6, v8;
	v7 =	vld.idx.msk [tilespmem:v62+s14+$0x0], $0xffff  }
0x1ea: {  	v3 =	vadd.f32 v3, v5;
	v5 =	vld.idx.msk [tilespmem:v62+s16+$0x0], $0xffff  }
0x1eb: {  	v4 =	vadd.f32 v4, v6;
	v6 =	vld.idx.msk [tilespmem:v60+s14+$0x0], $0xffff  }
0x1ec: {  	v62 =	vld.idx.msk [tilespmem:v58+s16+$0x0], $0xffff  }
0x1ed: {  	v1 =	vadd.f32 v1, v3;
	v3 =	vld.idx.msk [tilespmem:v60+s16+$0x0], $0xffff;
	v60 =	vmul.f32 v63, v37  }
0x1ee: {  	v0 =	vmul.f32 v0, v37;
	v2 =	vadd.f32 v2, v4;
	v4 =	vld.idx.msk [tilespmem:v58+s14+$0x0], $0xffff  }
0x1ef: {  	v58 =	vld.idx.msk [tilespmem:v40+s16+$0x0], $0xffff;
	v63 =	vmul.f32 v61, v7;
	v1 =	vadd.f32 v60, v1  }
0x1f0: {  	v0 =	vadd.f32 v0, v2;
	v2 =	vmul.f32 v5, v7;
	v5 =	vld.idx.msk [tilespmem:v56+s14+$0x0], $0xffff  }
0x1f1: {  	v7 =	vld.idx.msk [tilespmem:v56+s16+$0x0], $0xffff;
	v32 =	vmul.f32 v59, v6;
	v1 =	vadd.f32 v63, v1  }
0x1f2: {  	v0 =	vadd.f32 v2, v0;
	v2 =	vmul.f32 v3, v6;
	v3 =	vld.idx.msk [tilespmem:v54+s14+$0x0], $0xffff  }
0x1f3: {  	v6 =	vld.idx.msk [tilespmem:v54+s16+$0x0], $0xffff;
	v34 =	vmul.f32 v57, v4;
	v1 =	vadd.f32 v32, v1  }
0x1f4: {  	v0 =	vadd.f32 v2, v0;
	v2 =	vmul.f32 v62, v4;
	v4 =	vld.idx.msk [tilespmem:v52+s14+$0x0], $0xffff  }
0x1f5: {  	v61 =	vld [tilespmem:$0x1FDF0];
	v1 =	vadd.f32 v34, v1;
	v37 =	vmul.f32 v55, v5  }
0x1f6: {  	v0 =	vadd.f32 v2, v0;
	v2 =	vmul.f32 v7, v5;
	v5 =	vld.idx.msk [tilespmem:v50+s14+$0x0], $0xffff  }
0x1f7: {  	v7 =	vld.idx.msk [tilespmem:v50+s16+$0x0], $0xffff;
	v1 =	vadd.f32 v37, v1;
	v52 =	vmul.f32 v53, v3  }
0x1f8: {  	v0 =	vadd.f32 v2, v0;
	v2 =	vmul.f32 v6, v3;
	v3 =	vld.idx.msk [tilespmem:v48+s14+$0x0], $0xffff  }
0x1f9: {  	v6 =	vld.idx.msk [tilespmem:v48+s16+$0x0], $0xffff;
	v1 =	vadd.f32 v52, v1;
	v53 =	vmul.f32 v51, v4  }
0x1fa: {  	v0 =	vadd.f32 v2, v0;
	v2 =	vmul.f32 v36, v4;
	v4 =	vld.idx.msk [tilespmem:v46+s14+$0x0], $0xffff  }
0x1fb: {  	v54 =	vld.idx.msk [tilespmem:v46+s16+$0x0], $0xffff;
	v1 =	vadd.f32 v53, v1;
	v55 =	vmul.f32 v49, v5  }
0x1fc: {  	v0 =	vadd.f32 v2, v0;
	v2 =	vmul.f32 v7, v5;
	v5 =	vld.idx.msk [tilespmem:v44+s14+$0x0], $0xffff  }
0x1fd: {  	v7 =	vld.idx.msk [tilespmem:v44+s16+$0x0], $0xffff;
	v1 =	vadd.f32 v55, v1;
	v56 =	vmul.f32 v47, v3  }
0x1fe: {  	v0 =	vadd.f32 v2, v0;
	v2 =	vmul.f32 v6, v3;
	v3 =	vld.idx.msk [tilespmem:v42+s14+$0x0], $0xffff  }
0x1ff: {  	v6 =	vld.idx.msk [tilespmem:v42+s16+$0x0], $0xffff;
	v1 =	vadd.f32 v56, v1;
	v57 =	vmul.f32 v45, v4  }
0x200: {  	v0 =	vadd.f32 v2, v0;
	v2 =	vmul.f32 v54, v4;
	v4 =	vld.idx.msk [tilespmem:v40+s14+$0x0], $0xffff  }
0x201: {  	v63 =	vld [tilespmem:$0x1FDE0];
	v1 =	vadd.f32 v57, v1;
	v59 =	vmul.f32 v43, v5  }
0x202: {  	v0 =	vadd.f32 v2, v0;
	v2 =	vmul.f32 v7, v5;
	v5 =	vld.idx.msk [tilespmem:v38+s14+$0x0], $0xffff  }
0x203: {  	v7 =	vld.idx.msk [tilespmem:v38+s16+$0x0], $0xffff;
	v1 =	vadd.f32 v59, v1;
	v60 =	vmul.f32 v41, v3  }
0x204: {  	v0 =	vadd.f32 v2, v0;
	v2 =	vmul.f32 v6, v3  }
0x205: {  	v1 =	vadd.f32 v60, v1;
	v9 =	vmul.f32 v61, v4  }
0x206: {  	v3 =	vld.idx.msk [tilespmem:v35+s14+$0x0], $0xffff;
	v0 =	vadd.f32 v2, v0;
	v2 =	vmul.f32 v58, v4  }
0x207: {  	v6 =	vld.idx.msk [tilespmem:v35+s16+$0x0], $0xffff;
	v1 =	vadd.f32 v9, v1  }
0x208: {  	v9 =	vmul.f32 v63, v5;
	v0 =	vadd.f32 v2, v0;
	v2 =	vmul.f32 v7, v5;
	v5 =	vld [tilespmem:$0x1FDD0];
	_ =	sdelay $0x3  }
0x209: {  	v4 =	vld.idx.msk [tilespmem:v33+s14+$0x0], $0xffff  }
0x20a: {  	v0 =	vadd.f32 v2, v0;
	v2 =	vmul.f32 v6, v3;
	v5 =	vmul.f32 v5, v3;
	v3 =	vld [tilespmem:$0x1FDC0]  }
0x20b: {  	v62 =	vld.idx.msk [tilespmem:v33+s16+$0x0], $0xffff;
	_ =	sdelay $0x1  }
0x20c: {  	v1 =	vadd.f32 v9, v1;
	_ =	sdelay $0x1  }
0x20d: {  	v1 =	vadd.f32 v5, v1;
	v3 =	vmul.f32 v3, v4  }
0x20e: {  	v0 =	vadd.f32 v2, v0;
	v2 =	vmul.f32 v62, v4  }
0x20f: {  	v1 =	vadd.f32 v3, v1  }
0x210: {  	s25 =	sadd.s32 $0x10, s25;
	v0 =	vadd.f32 v2, v0  }
0x211: {  	s24 =	sadd.s32 $0x10, s24;
	[tilespmem:s25+$0x0] =	vst v1  }
0x212: {  	[tilespmem:s24+$0x0] =	vst v0  }
0x213: {  	[hbm4b:s8+s1] =	stream.linear.scatter [tilespmem:s20], [sflag:$0x2], $0x200, $0x38;
	[tilespmem:$0xCA00] =	vst v63  }
0x214: {  	_ =	swait.ge [sflag:s11], $0x200  }
0x215: {  	[sflag:s11] =	ssyncset.done $0x0  }
0x216: {  	[sflag:s11] =	ssyncadd.s32 $0xFFFFFE00  }
0x217: {  	[hbm4b:s9+s1] =	stream.linear.scatter [tilespmem:s22], [sflag:$0x2], $0x200, $0x38;
	[tilespmem:$0xCA00] =	vst v63  }
0x218: {  	_ =	swait.ge [sflag:s11], $0x200  }
0x219: {  	v21 =	vld [tilespmem:$0x1FFA0]  }
0x21a: {  	v27 =	vld [tilespmem:$0x1FFB0]  }
0x21b: {  	v28 =	vld [tilespmem:$0x1FFC0]  }
0x21c: {  	v29 =	vld [tilespmem:$0x1FFD0]  }
0x21d: {  	v30 =	vld [tilespmem:$0x1FFE0]  }
0x21e: {  	v31 =	vld [tilespmem:$0x1FFF0]  }
0x21f: {  	v44 =	vld [tilespmem:$0x1FF40]  }
0x220: {  	v20 =	vld [tilespmem:$0x1FF30]  }
0x221: {  	v26 =	vld [tilespmem:$0x1FF20]  }
0x222: {  	v25 =	vld [tilespmem:$0x1FF10]  }
0x223: {  	v23 =	vld [tilespmem:$0x1FEF0]  }
0x224: {  	v22 =	vld [tilespmem:$0x1FEE0]  }
0x225: {  	v24 =	vld [tilespmem:$0x1FF00]  }
0x226: {  	v32 =	vld [tilespmem:$0x1FEC0]  }
0x227: {  	v18 =	vld [tilespmem:$0x1FEA0]  }
0x228: {  	v35 =	vld [tilespmem:$0x1FEB0]  }
0x229: {  	v34 =	vld [tilespmem:$0x1FE90]  }
0x22a: {  	v45 =	vld [tilespmem:$0x1FE60]  }
0x22b: {  	v15 =	vld [tilespmem:$0x1FE70]  }
0x22c: {  	v41 =	vld [tilespmem:$0x1FE50]  }
0x22d: {  	s23 =	sadd.s32 $0x1, s23;
	v36 =	vld [tilespmem:$0x1FE80]  }
0x22e: {  	p0 =	sne.s32 s23, s10;
	v2 =	vld [tilespmem:$0x1FF70]  }
.Ltmp1:
0x22f: {  	v16 =	vld [tilespmem:$0x1FED0];
	(pc) =	sbr.rel @p0 .LBB2_1-.Ltmp1, $4  }
0x230: {  	v1 =	vld [tilespmem:$0x1FF80]  }
0x231: {  	v3 =	vld [tilespmem:$0x1FF60]  }
0x232: {  	[sflag:s11] =	ssyncset.done $0x0;
	v4 =	vld [tilespmem:$0x1FF90]  }
0x233: {  	v5 =	vld [tilespmem:$0x1FF50];
	[sflag:s11] =	ssyncadd.s32 $0xFFFFFE00  }
0x234: {  	_ =	sfence.sel $0x180000  }
0x235: {  	[bflag:$0x0] =	sbarrier.arrive $0xFFFF  }
0x236: {  	_ =	strace $0x90000047  }
0x237: {  	s0 =	stileid.u32;
	[bflag:$0x2] =	sbarrier.arrive $0xFFFF  }
0x238: {  	p0 =	sne.s32 s0, $0x0;
	s0 =	rddreg [dreg:$0x6]  }
0x239: {  	s0 =	sadd.s32 @!p0 $0x100000, s0  }
0x23a: {  	[sflag:s0] =	ssyncadd.tile.s32 @!p0 $0x1;
	_ =	shalt  }
.Lfunc_end2:
_tile_overlayer_lowered:
.L_overlay_start_2:
0x23b: {  	(tag) =	ssettag $0x2  }
0x23c: {  	s0 =	rddreg [dreg:$0x0];
	s2 =	stileid.u32  }
0x23d: {  	s1 =	rddreg [dreg:$0x1];
	p0 =	sne.s32 s2, $0x0  }
0x23e: {  	s3 =	rddreg [dreg:$0x2];
	[bflag:$0x3] =	sbarrier.arrive $0xFFFF;
	s2 =	simm.s32 @!p0 $0x1C02  }
0x23f: {  	[timem:s3], [sflag:s2] =	dma.local @!p0 [hbm:s0], s1  }
0x240: {  	s0 =	simm.s32 @!p0 $0x2  }
0x241: {  	_ =	swait.ge @!p0 [sflag:s0], s1  }
0x242: {  	s1 =	ssub.s32 @!p0 $0x0, s1;
	[sflag:s0] =	ssyncset.done @!p0 $0x0  }
0x243: {  	[sflag:s0] =	ssyncadd.s32 @!p0 s1  }
0x244: {  	[bflag:$0x3] =	sbarrier.arrive $0xFFFF  }
0x245: {  	_ =	shalt  }

</sc_bundles>
